<compile_context>
chip_gen: v7x
topology: tpu7x:2x2x1
jax: 0.10.2.dev20260603
libtpu: 0.0.44.dev20260713+nightly
codegen_flags: <defaults>
</compile_context>

<pallas_src>
import functools

import jax
import jax.numpy as jnp
from jax import lax
from jax.experimental import pallas as pl
from jax.experimental.pallas import tpu as pltpu
from jax.experimental.pallas import tpu_sc as plsc

N_TOK = 16384
N_EXP = 64
K = 8
NC = 2
NS = 16
NW = NC * NS
TPW = N_TOK // NW
SPW = TPW * K
GRID = 8
BT = N_TOK // GRID
CPB = BT // TPW
LANES = 128
JT = N_TOK // LANES


def _tc_body(xt_ref, probs_t_ref, scores_t_ref, assign_t_ref, bh_t_ref):
    x = xt_ref[:]
    m = jnp.max(x, axis=0, keepdims=True)
    e = jnp.exp(x - m)
    p = e / jnp.sum(e, axis=0, keepdims=True)
    probs_t_ref[:] = p
    sub_rev = (
        (N_EXP - 1) - lax.broadcasted_iota(jnp.int32, (N_EXP, BT), 0)
    ).astype(jnp.float32)
    work = p
    rows = []
    for k in range(K):
        mk = jnp.max(work, axis=0, keepdims=True)
        cand = jnp.where(work == mk, sub_rev, -1.0)
        mrev = jnp.max(cand, axis=0, keepdims=True)
        work = jnp.where(cand == mrev, -1.0, work)
        idx = ((N_EXP - 1.0) - mrev).astype(jnp.int32)
        scores_t_ref[k:k + 1, :] = mk
        assign_t_ref[k:k + 1, :] = idx
    sel = (work < 0.0).astype(jnp.int32)
    for g in range(CPB):
        bh_t_ref[0, :, g:g + 1] = jnp.sum(
            sel[:, g * TPW:(g + 1) * TPW], axis=1, keepdims=True
        )


_tc_call = pl.pallas_call(
    _tc_body,
    grid=(GRID,),
    in_specs=[pl.BlockSpec((N_EXP, BT), lambda i: (0, i))],
    out_specs=[
        pl.BlockSpec((N_EXP, BT), lambda i: (0, i)),
        pl.BlockSpec((K, BT), lambda i: (0, i)),
        pl.BlockSpec((K, BT), lambda i: (0, i)),
        pl.BlockSpec((1, N_EXP, CPB), lambda i: (i, 0, 0)),
    ],
    out_shape=[
        jax.ShapeDtypeStruct((N_EXP, N_TOK), jnp.float32),
        jax.ShapeDtypeStruct((K, N_TOK), jnp.float32),
        jax.ShapeDtypeStruct((K, N_TOK), jnp.int32),
        jax.ShapeDtypeStruct((GRID, N_EXP, CPB), jnp.int32),
    ],
)


def _sc_body(asc_hbm, bhist_hbm, counts_out, offs_sc_out,
             bh_v, a_v, o_v, hist_v, tot_v):
    c = lax.axis_index("c")
    s = lax.axis_index("s")
    wid = s * NC + c
    pltpu.sync_copy(bhist_hbm, bh_v)
    pltpu.sync_copy(asc_hbm.at[pl.ds(wid * SPW, SPW)], a_v)
    for j in range(N_EXP // 16):
        acc = jnp.zeros((16,), jnp.int32)
        tot = jnp.zeros((16,), jnp.int32)
        for u in range(NW):
            v = bh_v[pl.ds(u * N_EXP + j * 16, 16)]
            pre = (jnp.int32(u) < wid).astype(jnp.int32)
            acc = acc + v * pre
            tot = tot + v
        hist_v[pl.ds(j * 16, 16)] = acc
        tot_v[pl.ds(j * 16, 16)] = tot

    lane = lax.broadcasted_iota(jnp.int32, (16,), 0)
    ones = jnp.ones((16,), jnp.int32)
    hi = lane >> 3
    lo_mask = hi == 0
    hi_mask = hi == 1
    lane128 = (lane & (K - 1)) * LANES
    dnums = lax.GatherDimensionNumbers(
        offset_dims=(), collapsed_slice_dims=(0,), start_index_map=(0,)
    )

    def bcast_lane(v, j):
        starts = jnp.full((16, 1), j, jnp.int32)
        return lax.gather(
            v, starts, dnums, (1,),
            mode=lax.GatherScatterMode.PROMISE_IN_BOUNDS,
        )

    def tok_body(i, carry):
        tl = i * 2 + hi
        slot = ((tl >> 7) << 10) + (tl & (LANES - 1)) + lane128
        idx = plsc.load_gather(a_v, [slot])
        g = plsc.load_gather(hist_v, [idx])
        corr = jnp.zeros((16,), jnp.int32)
        for jx in range(K):
            corr = corr + (idx == bcast_lane(idx, jx)).astype(jnp.int32)
        g = g + jnp.where(hi_mask, corr, 0)
        plsc.store_scatter(o_v, [slot], g)
        plsc.addupdate_scatter(hist_v, [idx], ones, mask=lo_mask)
        plsc.addupdate_scatter(hist_v, [idx], ones, mask=hi_mask)
        return carry

    lax.fori_loop(0, TPW // 2, tok_body, 0)
    pltpu.sync_copy(o_v, offs_sc_out.at[pl.ds(wid * SPW, SPW)])

    @pl.when(wid == 0)
    def _():
        pltpu.sync_copy(tot_v, counts_out)


@functools.cache
def _sc_call():
    mesh = plsc.VectorSubcoreMesh(
        core_axis_name="c", subcore_axis_name="s", num_cores=NC, num_subcores=NS
    )
    return functools.partial(
        pl.kernel,
        mesh=mesh,
        compiler_params=pltpu.CompilerParams(needs_layout_passes=False),
        out_type=[
            jax.ShapeDtypeStruct((N_EXP,), jnp.int32),
            jax.ShapeDtypeStruct((N_TOK * K,), jnp.int32),
        ],
        scratch_types=[
            pltpu.VMEM((N_EXP * NW,), jnp.int32),
            pltpu.VMEM((SPW,), jnp.int32),
            pltpu.VMEM((SPW,), jnp.int32),
            pltpu.VMEM((N_EXP,), jnp.int32),
            pltpu.VMEM((N_EXP,), jnp.int32),
        ],
    )(_sc_body)


def kernel(expert_counts, assignments, offsets, logits):
    probs_t, scores_t, assign_t, bh_t = _tc_call(logits.T)
    asc = (
        assign_t.reshape(K, JT, LANES)
        .transpose(1, 0, 2)
        .reshape(-1)
    )
    bh_flat = bh_t.transpose(0, 2, 1).reshape(-1)
    counts, offs_flat = _sc_call()(asc, bh_flat)
    offs = (
        offs_flat.reshape(JT, K, LANES)
        .transpose(0, 2, 1)
        .reshape(N_TOK, K)
    )
    return counts, scores_t.T, assign_t.T, offs, probs_t.T

# --- scband reference (transcript-rebuilt; emitter-appended) ---
"""Pipeline reference for scband-ragged-top-kgating-module-62216896250151 (READ-ONLY COPY).

The authoritative reference and input builder live on the scoring server;
editing this copy changes nothing except your own understanding.
"""

import jax, jax.numpy as jnp
import numpy as np

N_TOKENS = 16384
N_EXPERTS = 64
TOP_K = 8


def setup_inputs(seed: int = 0) -> dict:
    key = jax.random.key(seed)
    logits = jax.random.normal(key, (N_TOKENS, N_EXPERTS), dtype=jnp.float32)
    return {
        "expert_counts": jnp.zeros((N_EXPERTS,), dtype=jnp.int32),
        "assignments": jnp.zeros((N_TOKENS, TOP_K), dtype=jnp.int32),
        "offsets": jnp.zeros((N_TOKENS, TOP_K), dtype=jnp.int32),
        "logits": logits,
    }


def reference(expert_counts, assignments, offsets, logits):
    # Faithful translation of DeepSpeed-style ragged top_k_gating kernel:
    #  1) softmax over expert logits
    #  2) top-k expert selection -> (scores, assignments)
    #  3) per-expert token counts (expert_counts)
    #  4) per-(token,k) offset = rank of that slot within its expert's bucket
    #  5) logits_out = normalized (softmax) logits saved for backward
    probs = jax.nn.softmax(logits, axis=-1)
    scores, assign = jax.lax.top_k(probs, TOP_K)

    flat = assign.reshape(-1)  # [N_TOKENS * TOP_K]
    onehot = (flat[:, None] == jnp.arange(N_EXPERTS)[None, :]).astype(jnp.int32)
    cum = jnp.cumsum(onehot, axis=0)  # running count per expert
    expert_counts_out = cum[-1].astype(jnp.int32)
    offs = (jnp.take_along_axis(cum, flat[:, None], axis=1)[:, 0] - 1)
    offs = offs.reshape(assign.shape).astype(jnp.int32)

    logits_out = probs
    return (expert_counts_out, scores, assign.astype(jnp.int32), offs, logits_out)

if __name__ == "__main__":
    import jax
    _d = setup_inputs()
    print(jax.jit(kernel)(*tuple(_d.values())))

</pallas_src>

<mosaic_0001>
#map = affine_map<(d0, d1) -> (0)>
module attributes {stable_mosaic.version = 14 : i64} {
  func.func @_sc_body(%arg0: i32, %arg1: i32, %arg2: memref<131072xi32, #tpu.memory_space<hbm>>, %arg3: memref<2048xi32, #tpu.memory_space<hbm>>, %arg4: memref<64xi32, #tpu.memory_space<hbm>>, %arg5: memref<131072xi32, #tpu.memory_space<hbm>>, %arg6: memref<2048xi32, #tpu.memory_space<vmem>>, %arg7: memref<4096xi32, #tpu.memory_space<vmem>>, %arg8: memref<4096xi32, #tpu.memory_space<vmem>>, %arg9: memref<64xi32, #tpu.memory_space<vmem>>, %arg10: memref<64xi32, #tpu.memory_space<vmem>>) attributes {dimension_semantics = [#tpu.dimension_semantics<core_parallel>, #tpu.dimension_semantics<subcore_parallel>], iteration_bounds = array<i64: 2, 16>, scalar_prefetch = 0 : i64, scratch_operands = 5 : i64, tpu.core_type = #tpu.core_type<sc_vector_subcore>, window_params = [{transform_indices = #map}, {transform_indices = #map}, {transform_indices = #map}, {transform_indices = #map}]} {
    %mul3A = arith.constant 2 : i32
    %mul3A_0 = arith.muli %arg1, %mul3A : i32
    %add3A = arith.addi %mul3A_0, %arg0 : i32
    "tpu.region"() ({
      %run_scoped3A = tpu.sem_alloc : memref<!tpu.dma_semaphore, #tpu.memory_space<semaphore_mem>>
      tpu.enqueue_dma source(%arg3 : memref<2048xi32, #tpu.memory_space<hbm>>) target(%arg6 : memref<2048xi32, #tpu.memory_space<vmem>>) target_semaphore(%run_scoped3A : memref<!tpu.dma_semaphore, #tpu.memory_space<semaphore_mem>>)
      tpu.wait_dma2 semaphore(%run_scoped3A : memref<!tpu.dma_semaphore, #tpu.memory_space<semaphore_mem>>) src(%arg3 : memref<2048xi32, #tpu.memory_space<hbm>>) dst(%arg6 : memref<2048xi32, #tpu.memory_space<vmem>>)
      tpu.yield
    }) : () -> ()
    %mul3A_1 = arith.constant 4096 : i32
    %mul3A_2 = arith.muli %add3A, %mul3A_1 : i32
    "tpu.region"() ({
      %run_scoped3A = tpu.sem_alloc : memref<!tpu.dma_semaphore, #tpu.memory_space<semaphore_mem>>
      %dma_start3A = tpu.memref_slice %arg2[%mul3A_2] : memref<131072xi32, #tpu.memory_space<hbm>> -> memref<4096xi32, #tpu.memory_space<hbm>>
      %dma_start3A_1207 = tpu.memref_slice %arg2[%mul3A_2] : memref<131072xi32, #tpu.memory_space<hbm>> -> memref<4096xi32, #tpu.memory_space<hbm>>
      tpu.enqueue_dma source(%dma_start3A_1207 : memref<4096xi32, #tpu.memory_space<hbm>>) target(%arg7 : memref<4096xi32, #tpu.memory_space<vmem>>) target_semaphore(%run_scoped3A : memref<!tpu.dma_semaphore, #tpu.memory_space<semaphore_mem>>)
      %dma_wait3A = tpu.memref_slice %arg2[%mul3A_2] : memref<131072xi32, #tpu.memory_space<hbm>> -> memref<4096xi32, #tpu.memory_space<hbm>>
      %dma_wait3A_1208 = tpu.memref_slice %arg2[%mul3A_2] : memref<131072xi32, #tpu.memory_space<hbm>> -> memref<4096xi32, #tpu.memory_space<hbm>>
      tpu.wait_dma2 semaphore(%run_scoped3A : memref<!tpu.dma_semaphore, #tpu.memory_space<semaphore_mem>>) src(%dma_wait3A_1208 : memref<4096xi32, #tpu.memory_space<hbm>>) dst(%arg7 : memref<4096xi32, #tpu.memory_space<vmem>>)
      tpu.yield
    }) : () -> ()
    %broadcast_in_dim3A = arith.constant 0 : i32
    %broadcast_in_dim3A_3 = vector.broadcast %broadcast_in_dim3A : i32 to vector<16xi32>
    %broadcast_in_dim3A_4 = arith.constant 0 : i32
    %broadcast_in_dim3A_5 = vector.broadcast %broadcast_in_dim3A_4 : i32 to vector<16xi32>
    %get3A = arith.constant 0 : index
    %get3A_6 = tpu.vector_load %arg6[%get3A] {strides = array<i32>} : memref<2048xi32, #tpu.memory_space<vmem>>, vector<16xi32>,
    %lt3A = arith.constant 0 : i32
    %lt3A_7 = arith.cmpi slt, %lt3A, %add3A : i32
    %convert_element_type3A = arith.extui %lt3A_7 : i1 to i32
    %mul3A_8 = vector.broadcast %convert_element_type3A : i32 to vector<16xi32>
    %mul3A_9 = arith.muli %get3A_6, %mul3A_8 : vector<16xi32>
    %add3A_10 = arith.addi %broadcast_in_dim3A_3, %mul3A_9 : vector<16xi32>
    %add3A_11 = arith.addi %broadcast_in_dim3A_5, %get3A_6 : vector<16xi32>
    %get3A_12 = arith.constant 64 : index
    %get3A_13 = tpu.vector_load %arg6[%get3A_12] {strides = array<i32>} : memref<2048xi32, #tpu.memory_space<vmem>>, vector<16xi32>,
    %lt3A_14 = arith.constant 1 : i32
    %lt3A_15 = arith.cmpi slt, %lt3A_14, %add3A : i32
    %convert_element_type3A_16 = arith.extui %lt3A_15 : i1 to i32
    %mul3A_17 = vector.broadcast %convert_element_type3A_16 : i32 to vector<16xi32>
    %mul3A_18 = arith.muli %get3A_13, %mul3A_17 : vector<16xi32>
    %add3A_19 = arith.addi %add3A_10, %mul3A_18 : vector<16xi32>
    %add3A_20 = arith.addi %add3A_11, %get3A_13 : vector<16xi32>
    %get3A_21 = arith.constant 128 : index
    %get3A_22 = tpu.vector_load %arg6[%get3A_21] {strides = array<i32>} : memref<2048xi32, #tpu.memory_space<vmem>>, vector<16xi32>,
    %lt3A_23 = arith.constant 2 : i32
    %lt3A_24 = arith.cmpi slt, %lt3A_23, %add3A : i32
    %convert_element_type3A_25 = arith.extui %lt3A_24 : i1 to i32
    %mul3A_26 = vector.broadcast %convert_element_type3A_25 : i32 to vector<16xi32>
    %mul3A_27 = arith.muli %get3A_22, %mul3A_26 : vector<16xi32>
    %add3A_28 = arith.addi %add3A_19, %mul3A_27 : vector<16xi32>
    %add3A_29 = arith.addi %add3A_20, %get3A_22 : vector<16xi32>
    %get3A_30 = arith.constant 192 : index
    %get3A_31 = tpu.vector_load %arg6[%get3A_30] {strides = array<i32>} : memref<2048xi32, #tpu.memory_space<vmem>>, vector<16xi32>,
    %lt3A_32 = arith.constant 3 : i32
    %lt3A_33 = arith.cmpi slt, %lt3A_32, %add3A : i32
    %convert_element_type3A_34 = arith.extui %lt3A_33 : i1 to i32
    %mul3A_35 = vector.broadcast %convert_element_type3A_34 : i32 to vector<16xi32>
    %mul3A_36 = arith.muli %get3A_31, %mul3A_35 : vector<16xi32>
    %add3A_37 = arith.addi %add3A_28, %mul3A_36 : vector<16xi32>
    %add3A_38 = arith.addi %add3A_29, %get3A_31 : vector<16xi32>
    %get3A_39 = arith.constant 256 : index
    %get3A_40 = tpu.vector_load %arg6[%get3A_39] {strides = array<i32>} : memref<2048xi32, #tpu.memory_space<vmem>>, vector<16xi32>,
    %lt3A_41 = arith.constant 4 : i32
    %lt3A_42 = arith.cmpi slt, %lt3A_41, %add3A : i32
    %convert_element_type3A_43 = arith.extui %lt3A_42 : i1 to i32
    %mul3A_44 = vector.broadcast %convert_element_type3A_43 : i32 to vector<16xi32>
    %mul3A_45 = arith.muli %get3A_40, %mul3A_44 : vector<16xi32>
    %add3A_46 = arith.addi %add3A_37, %mul3A_45 : vector<16xi32>
    %add3A_47 = arith.addi %add3A_38, %get3A_40 : vector<16xi32>
    %get3A_48 = arith.constant 320 : index
    %get3A_49 = tpu.vector_load %arg6[%get3A_48] {strides = array<i32>} : memref<2048xi32, #tpu.memory_space<vmem>>, vector<16xi32>,
    %lt3A_50 = arith.constant 5 : i32
    %lt3A_51 = arith.cmpi slt, %lt3A_50, %add3A : i32
    %convert_element_type3A_52 = arith.extui %lt3A_51 : i1 to i32
    %mul3A_53 = vector.broadcast %convert_element_type3A_52 : i32 to vector<16xi32>
    %mul3A_54 = arith.muli %get3A_49, %mul3A_53 : vector<16xi32>
    %add3A_55 = arith.addi %add3A_46, %mul3A_54 : vector<16xi32>
    %add3A_56 = arith.addi %add3A_47, %get3A_49 : vector<16xi32>
    %get3A_57 = arith.constant 384 : index
    %get3A_58 = tpu.vector_load %arg6[%get3A_57] {strides = array<i32>} : memref<2048xi32, #tpu.memory_space<vmem>>, vector<16xi32>,
    %lt3A_59 = arith.constant 6 : i32
    %lt3A_60 = arith.cmpi slt, %lt3A_59, %add3A : i32
    %convert_element_type3A_61 = arith.extui %lt3A_60 : i1 to i32
    %mul3A_62 = vector.broadcast %convert_element_type3A_61 : i32 to vector<16xi32>
    %mul3A_63 = arith.muli %get3A_58, %mul3A_62 : vector<16xi32>
    %add3A_64 = arith.addi %add3A_55, %mul3A_63 : vector<16xi32>
    %add3A_65 = arith.addi %add3A_56, %get3A_58 : vector<16xi32>
    %get3A_66 = arith.constant 448 : index
    %get3A_67 = tpu.vector_load %arg6[%get3A_66] {strides = array<i32>} : memref<2048xi32, #tpu.memory_space<vmem>>, vector<16xi32>,
    %lt3A_68 = arith.constant 7 : i32
    %lt3A_69 = arith.cmpi slt, %lt3A_68, %add3A : i32
    %convert_element_type3A_70 = arith.extui %lt3A_69 : i1 to i32
    %mul3A_71 = vector.broadcast %convert_element_type3A_70 : i32 to vector<16xi32>
    %mul3A_72 = arith.muli %get3A_67, %mul3A_71 : vector<16xi32>
    %add3A_73 = arith.addi %add3A_64, %mul3A_72 : vector<16xi32>
    %add3A_74 = arith.addi %add3A_65, %get3A_67 : vector<16xi32>
    %get3A_75 = arith.constant 512 : index
    %get3A_76 = tpu.vector_load %arg6[%get3A_75] {strides = array<i32>} : memref<2048xi32, #tpu.memory_space<vmem>>, vector<16xi32>,
    %lt3A_77 = arith.constant 8 : i32
    %lt3A_78 = arith.cmpi slt, %lt3A_77, %add3A : i32
    %convert_element_type3A_79 = arith.extui %lt3A_78 : i1 to i32
    %mul3A_80 = vector.broadcast %convert_element_type3A_79 : i32 to vector<16xi32>
    %mul3A_81 = arith.muli %get3A_76, %mul3A_80 : vector<16xi32>
    %add3A_82 = arith.addi %add3A_73, %mul3A_81 : vector<16xi32>
    %add3A_83 = arith.addi %add3A_74, %get3A_76 : vector<16xi32>
    %get3A_84 = arith.constant 576 : index
    %get3A_85 = tpu.vector_load %arg6[%get3A_84] {strides = array<i32>} : memref<2048xi32, #tpu.memory_space<vmem>>, vector<16xi32>,
    %lt3A_86 = arith.constant 9 : i32
    %lt3A_87 = arith.cmpi slt, %lt3A_86, %add3A : i32
    %convert_element_type3A_88 = arith.extui %lt3A_87 : i1 to i32
    %mul3A_89 = vector.broadcast %convert_element_type3A_88 : i32 to vector<16xi32>
    %mul3A_90 = arith.muli %get3A_85, %mul3A_89 : vector<16xi32>
    %add3A_91 = arith.addi %add3A_82, %mul3A_90 : vector<16xi32>
    %add3A_92 = arith.addi %add3A_83, %get3A_85 : vector<16xi32>
    %get3A_93 = arith.constant 640 : index
    %get3A_94 = tpu.vector_load %arg6[%get3A_93] {strides = array<i32>} : memref<2048xi32, #tpu.memory_space<vmem>>, vector<16xi32>,
    %lt3A_95 = arith.constant 10 : i32
    %lt3A_96 = arith.cmpi slt, %lt3A_95, %add3A : i32
    %convert_element_type3A_97 = arith.extui %lt3A_96 : i1 to i32
    %mul3A_98 = vector.broadcast %convert_element_type3A_97 : i32 to vector<16xi32>
    %mul3A_99 = arith.muli %get3A_94, %mul3A_98 : vector<16xi32>
    %add3A_100 = arith.addi %add3A_91, %mul3A_99 : vector<16xi32>
    %add3A_101 = arith.addi %add3A_92, %get3A_94 : vector<16xi32>
    %get3A_102 = arith.constant 704 : index
    %get3A_103 = tpu.vector_load %arg6[%get3A_102] {strides = array<i32>} : memref<2048xi32, #tpu.memory_space<vmem>>, vector<16xi32>,
    %lt3A_104 = arith.constant 11 : i32
    %lt3A_105 = arith.cmpi slt, %lt3A_104, %add3A : i32
    %convert_element_type3A_106 = arith.extui %lt3A_105 : i1 to i32
    %mul3A_107 = vector.broadcast %convert_element_type3A_106 : i32 to vector<16xi32>
    %mul3A_108 = arith.muli %get3A_103, %mul3A_107 : vector<16xi32>
    %add3A_109 = arith.addi %add3A_100, %mul3A_108 : vector<16xi32>
    %add3A_110 = arith.addi %add3A_101, %get3A_103 : vector<16xi32>
    %get3A_111 = arith.constant 768 : index
    %get3A_112 = tpu.vector_load %arg6[%get3A_111] {strides = array<i32>} : memref<2048xi32, #tpu.memory_space<vmem>>, vector<16xi32>,
    %lt3A_113 = arith.constant 12 : i32
    %lt3A_114 = arith.cmpi slt, %lt3A_113, %add3A : i32
    %convert_element_type3A_115 = arith.extui %lt3A_114 : i1 to i32
    %mul3A_116 = vector.broadcast %convert_element_type3A_115 : i32 to vector<16xi32>
    %mul3A_117 = arith.muli %get3A_112, %mul3A_116 : vector<16xi32>
    %add3A_118 = arith.addi %add3A_109, %mul3A_117 : vector<16xi32>
    %add3A_119 = arith.addi %add3A_110, %get3A_112 : vector<16xi32>
    %get3A_120 = arith.constant 832 : index
    %get3A_121 = tpu.vector_load %arg6[%get3A_120] {strides = array<i32>} : memref<2048xi32, #tpu.memory_space<vmem>>, vector<16xi32>,
    %lt3A_122 = arith.constant 13 : i32
    %lt3A_123 = arith.cmpi slt, %lt3A_122, %add3A : i32
    %convert_element_type3A_124 = arith.extui %lt3A_123 : i1 to i32
    %mul3A_125 = vector.broadcast %convert_element_type3A_124 : i32 to vector<16xi32>
    %mul3A_126 = arith.muli %get3A_121, %mul3A_125 : vector<16xi32>
    %add3A_127 = arith.addi %add3A_118, %mul3A_126 : vector<16xi32>
    %add3A_128 = arith.addi %add3A_119, %get3A_121 : vector<16xi32>
    %get3A_129 = arith.constant 896 : index
    %get3A_130 = tpu.vector_load %arg6[%get3A_129] {strides = array<i32>} : memref<2048xi32, #tpu.memory_space<vmem>>, vector<16xi32>,
    %lt3A_131 = arith.constant 14 : i32
    %lt3A_132 = arith.cmpi slt, %lt3A_131, %add3A : i32
    %convert_element_type3A_133 = arith.extui %lt3A_132 : i1 to i32
    %mul3A_134 = vector.broadcast %convert_element_type3A_133 : i32 to vector<16xi32>
    %mul3A_135 = arith.muli %get3A_130, %mul3A_134 : vector<16xi32>
    %add3A_136 = arith.addi %add3A_127, %mul3A_135 : vector<16xi32>
    %add3A_137 = arith.addi %add3A_128, %get3A_130 : vector<16xi32>
    %get3A_138 = arith.constant 960 : index
    %get3A_139 = tpu.vector_load %arg6[%get3A_138] {strides = array<i32>} : memref<2048xi32, #tpu.memory_space<vmem>>, vector<16xi32>,
    %lt3A_140 = arith.constant 15 : i32
    %lt3A_141 = arith.cmpi slt, %lt3A_140, %add3A : i32
    %convert_element_type3A_142 = arith.extui %lt3A_141 : i1 to i32
    %mul3A_143 = vector.broadcast %convert_element_type3A_142 : i32 to vector<16xi32>
    %mul3A_144 = arith.muli %get3A_139, %mul3A_143 : vector<16xi32>
    %add3A_145 = arith.addi %add3A_136, %mul3A_144 : vector<16xi32>
    %add3A_146 = arith.addi %add3A_137, %get3A_139 : vector<16xi32>
    %get3A_147 = arith.constant 1024 : index
    %get3A_148 = tpu.vector_load %arg6[%get3A_147] {strides = array<i32>} : memref<2048xi32, #tpu.memory_space<vmem>>, vector<16xi32>,
    %lt3A_149 = arith.constant 16 : i32
    %lt3A_150 = arith.cmpi slt, %lt3A_149, %add3A : i32
    %convert_element_type3A_151 = arith.extui %lt3A_150 : i1 to i32
    %mul3A_152 = vector.broadcast %convert_element_type3A_151 : i32 to vector<16xi32>
    %mul3A_153 = arith.muli %get3A_148, %mul3A_152 : vector<16xi32>
    %add3A_154 = arith.addi %add3A_145, %mul3A_153 : vector<16xi32>
    %add3A_155 = arith.addi %add3A_146, %get3A_148 : vector<16xi32>
    %get3A_156 = arith.constant 1088 : index
    %get3A_157 = tpu.vector_load %arg6[%get3A_156] {strides = array<i32>} : memref<2048xi32, #tpu.memory_space<vmem>>, vector<16xi32>,
    %lt3A_158 = arith.constant 17 : i32
    %lt3A_159 = arith.cmpi slt, %lt3A_158, %add3A : i32
    %convert_element_type3A_160 = arith.extui %lt3A_159 : i1 to i32
    %mul3A_161 = vector.broadcast %convert_element_type3A_160 : i32 to vector<16xi32>
    %mul3A_162 = arith.muli %get3A_157, %mul3A_161 : vector<16xi32>
    %add3A_163 = arith.addi %add3A_154, %mul3A_162 : vector<16xi32>
    %add3A_164 = arith.addi %add3A_155, %get3A_157 : vector<16xi32>
    %get3A_165 = arith.constant 1152 : index
    %get3A_166 = tpu.vector_load %arg6[%get3A_165] {strides = array<i32>} : memref<2048xi32, #tpu.memory_space<vmem>>, vector<16xi32>,
    %lt3A_167 = arith.constant 18 : i32
    %lt3A_168 = arith.cmpi slt, %lt3A_167, %add3A : i32
    %convert_element_type3A_169 = arith.extui %lt3A_168 : i1 to i32
    %mul3A_170 = vector.broadcast %convert_element_type3A_169 : i32 to vector<16xi32>
    %mul3A_171 = arith.muli %get3A_166, %mul3A_170 : vector<16xi32>
    %add3A_172 = arith.addi %add3A_163, %mul3A_171 : vector<16xi32>
    %add3A_173 = arith.addi %add3A_164, %get3A_166 : vector<16xi32>
    %get3A_174 = arith.constant 1216 : index
    %get3A_175 = tpu.vector_load %arg6[%get3A_174] {strides = array<i32>} : memref<2048xi32, #tpu.memory_space<vmem>>, vector<16xi32>,
    %lt3A_176 = arith.constant 19 : i32
    %lt3A_177 = arith.cmpi slt, %lt3A_176, %add3A : i32
    %convert_element_type3A_178 = arith.extui %lt3A_177 : i1 to i32
    %mul3A_179 = vector.broadcast %convert_element_type3A_178 : i32 to vector<16xi32>
    %mul3A_180 = arith.muli %get3A_175, %mul3A_179 : vector<16xi32>
    %add3A_181 = arith.addi %add3A_172, %mul3A_180 : vector<16xi32>
    %add3A_182 = arith.addi %add3A_173, %get3A_175 : vector<16xi32>
    %get3A_183 = arith.constant 1280 : index
    %get3A_184 = tpu.vector_load %arg6[%get3A_183] {strides = array<i32>} : memref<2048xi32, #tpu.memory_space<vmem>>, vector<16xi32>,
    %lt3A_185 = arith.constant 20 : i32
    %lt3A_186 = arith.cmpi slt, %lt3A_185, %add3A : i32
    %convert_element_type3A_187 = arith.extui %lt3A_186 : i1 to i32
    %mul3A_188 = vector.broadcast %convert_element_type3A_187 : i32 to vector<16xi32>
    %mul3A_189 = arith.muli %get3A_184, %mul3A_188 : vector<16xi32>
    %add3A_190 = arith.addi %add3A_181, %mul3A_189 : vector<16xi32>
    %add3A_191 = arith.addi %add3A_182, %get3A_184 : vector<16xi32>
    %get3A_192 = arith.constant 1344 : index
    %get3A_193 = tpu.vector_load %arg6[%get3A_192] {strides = array<i32>} : memref<2048xi32, #tpu.memory_space<vmem>>, vector<16xi32>,
    %lt3A_194 = arith.constant 21 : i32
    %lt3A_195 = arith.cmpi slt, %lt3A_194, %add3A : i32
    %convert_element_type3A_196 = arith.extui %lt3A_195 : i1 to i32
    %mul3A_197 = vector.broadcast %convert_element_type3A_196 : i32 to vector<16xi32>
    %mul3A_198 = arith.muli %get3A_193, %mul3A_197 : vector<16xi32>
    %add3A_199 = arith.addi %add3A_190, %mul3A_198 : vector<16xi32>
    %add3A_200 = arith.addi %add3A_191, %get3A_193 : vector<16xi32>
    %get3A_201 = arith.constant 1408 : index
    %get3A_202 = tpu.vector_load %arg6[%get3A_201] {strides = array<i32>} : memref<2048xi32, #tpu.memory_space<vmem>>, vector<16xi32>,
    %lt3A_203 = arith.constant 22 : i32
    %lt3A_204 = arith.cmpi slt, %lt3A_203, %add3A : i32
    %convert_element_type3A_205 = arith.extui %lt3A_204 : i1 to i32
    %mul3A_206 = vector.broadcast %convert_element_type3A_205 : i32 to vector<16xi32>
    %mul3A_207 = arith.muli %get3A_202, %mul3A_206 : vector<16xi32>
    %add3A_208 = arith.addi %add3A_199, %mul3A_207 : vector<16xi32>
    %add3A_209 = arith.addi %add3A_200, %get3A_202 : vector<16xi32>
    %get3A_210 = arith.constant 1472 : index
    %get3A_211 = tpu.vector_load %arg6[%get3A_210] {strides = array<i32>} : memref<2048xi32, #tpu.memory_space<vmem>>, vector<16xi32>,
    %lt3A_212 = arith.constant 23 : i32
    %lt3A_213 = arith.cmpi slt, %lt3A_212, %add3A : i32
    %convert_element_type3A_214 = arith.extui %lt3A_213 : i1 to i32
    %mul3A_215 = vector.broadcast %convert_element_type3A_214 : i32 to vector<16xi32>
    %mul3A_216 = arith.muli %get3A_211, %mul3A_215 : vector<16xi32>
    %add3A_217 = arith.addi %add3A_208, %mul3A_216 : vector<16xi32>
    %add3A_218 = arith.addi %add3A_209, %get3A_211 : vector<16xi32>
    %get3A_219 = arith.constant 1536 : index
    %get3A_220 = tpu.vector_load %arg6[%get3A_219] {strides = array<i32>} : memref<2048xi32, #tpu.memory_space<vmem>>, vector<16xi32>,
    %lt3A_221 = arith.constant 24 : i32
    %lt3A_222 = arith.cmpi slt, %lt3A_221, %add3A : i32
    %convert_element_type3A_223 = arith.extui %lt3A_222 : i1 to i32
    %mul3A_224 = vector.broadcast %convert_element_type3A_223 : i32 to vector<16xi32>
    %mul3A_225 = arith.muli %get3A_220, %mul3A_224 : vector<16xi32>
    %add3A_226 = arith.addi %add3A_217, %mul3A_225 : vector<16xi32>
    %add3A_227 = arith.addi %add3A_218, %get3A_220 : vector<16xi32>
    %get3A_228 = arith.constant 1600 : index
    %get3A_229 = tpu.vector_load %arg6[%get3A_228] {strides = array<i32>} : memref<2048xi32, #tpu.memory_space<vmem>>, vector<16xi32>,
    %lt3A_230 = arith.constant 25 : i32
    %lt3A_231 = arith.cmpi slt, %lt3A_230, %add3A : i32
    %convert_element_type3A_232 = arith.extui %lt3A_231 : i1 to i32
    %mul3A_233 = vector.broadcast %convert_element_type3A_232 : i32 to vector<16xi32>
    %mul3A_234 = arith.muli %get3A_229, %mul3A_233 : vector<16xi32>
    %add3A_235 = arith.addi %add3A_226, %mul3A_234 : vector<16xi32>
    %add3A_236 = arith.addi %add3A_227, %get3A_229 : vector<16xi32>
    %get3A_237 = arith.constant 1664 : index
    %get3A_238 = tpu.vector_load %arg6[%get3A_237] {strides = array<i32>} : memref<2048xi32, #tpu.memory_space<vmem>>, vector<16xi32>,
    %lt3A_239 = arith.constant 26 : i32
    %lt3A_240 = arith.cmpi slt, %lt3A_239, %add3A : i32
    %convert_element_type3A_241 = arith.extui %lt3A_240 : i1 to i32
    %mul3A_242 = vector.broadcast %convert_element_type3A_241 : i32 to vector<16xi32>
    %mul3A_243 = arith.muli %get3A_238, %mul3A_242 : vector<16xi32>
    %add3A_244 = arith.addi %add3A_235, %mul3A_243 : vector<16xi32>
    %add3A_245 = arith.addi %add3A_236, %get3A_238 : vector<16xi32>
    %get3A_246 = arith.constant 1728 : index
    %get3A_247 = tpu.vector_load %arg6[%get3A_246] {strides = array<i32>} : memref<2048xi32, #tpu.memory_space<vmem>>, vector<16xi32>,
    %lt3A_248 = arith.constant 27 : i32
    %lt3A_249 = arith.cmpi slt, %lt3A_248, %add3A : i32
    %convert_element_type3A_250 = arith.extui %lt3A_249 : i1 to i32
    %mul3A_251 = vector.broadcast %convert_element_type3A_250 : i32 to vector<16xi32>
    %mul3A_252 = arith.muli %get3A_247, %mul3A_251 : vector<16xi32>
    %add3A_253 = arith.addi %add3A_244, %mul3A_252 : vector<16xi32>
    %add3A_254 = arith.addi %add3A_245, %get3A_247 : vector<16xi32>
    %get3A_255 = arith.constant 1792 : index
    %get3A_256 = tpu.vector_load %arg6[%get3A_255] {strides = array<i32>} : memref<2048xi32, #tpu.memory_space<vmem>>, vector<16xi32>,
    %lt3A_257 = arith.constant 28 : i32
    %lt3A_258 = arith.cmpi slt, %lt3A_257, %add3A : i32
    %convert_element_type3A_259 = arith.extui %lt3A_258 : i1 to i32
    %mul3A_260 = vector.broadcast %convert_element_type3A_259 : i32 to vector<16xi32>
    %mul3A_261 = arith.muli %get3A_256, %mul3A_260 : vector<16xi32>
    %add3A_262 = arith.addi %add3A_253, %mul3A_261 : vector<16xi32>
    %add3A_263 = arith.addi %add3A_254, %get3A_256 : vector<16xi32>
    %get3A_264 = arith.constant 1856 : index
    %get3A_265 = tpu.vector_load %arg6[%get3A_264] {strides = array<i32>} : memref<2048xi32, #tpu.memory_space<vmem>>, vector<16xi32>,
    %lt3A_266 = arith.constant 29 : i32
    %lt3A_267 = arith.cmpi slt, %lt3A_266, %add3A : i32
    %convert_element_type3A_268 = arith.extui %lt3A_267 : i1 to i32
    %mul3A_269 = vector.broadcast %convert_element_type3A_268 : i32 to vector<16xi32>
    %mul3A_270 = arith.muli %get3A_265, %mul3A_269 : vector<16xi32>
    %add3A_271 = arith.addi %add3A_262, %mul3A_270 : vector<16xi32>
    %add3A_272 = arith.addi %add3A_263, %get3A_265 : vector<16xi32>
    %get3A_273 = arith.constant 1920 : index
    %get3A_274 = tpu.vector_load %arg6[%get3A_273] {strides = array<i32>} : memref<2048xi32, #tpu.memory_space<vmem>>, vector<16xi32>,
    %lt3A_275 = arith.constant 30 : i32
    %lt3A_276 = arith.cmpi slt, %lt3A_275, %add3A : i32
    %convert_element_type3A_277 = arith.extui %lt3A_276 : i1 to i32
    %mul3A_278 = vector.broadcast %convert_element_type3A_277 : i32 to vector<16xi32>
    %mul3A_279 = arith.muli %get3A_274, %mul3A_278 : vector<16xi32>
    %add3A_280 = arith.addi %add3A_271, %mul3A_279 : vector<16xi32>
    %add3A_281 = arith.addi %add3A_272, %get3A_274 : vector<16xi32>
    %get3A_282 = arith.constant 1984 : index
    %get3A_283 = tpu.vector_load %arg6[%get3A_282] {strides = array<i32>} : memref<2048xi32, #tpu.memory_space<vmem>>, vector<16xi32>,
    %lt3A_284 = arith.constant 31 : i32
    %lt3A_285 = arith.cmpi slt, %lt3A_284, %add3A : i32
    %convert_element_type3A_286 = arith.extui %lt3A_285 : i1 to i32
    %mul3A_287 = vector.broadcast %convert_element_type3A_286 : i32 to vector<16xi32>
    %mul3A_288 = arith.muli %get3A_283, %mul3A_287 : vector<16xi32>
    %add3A_289 = arith.addi %add3A_280, %mul3A_288 : vector<16xi32>
    %add3A_290 = arith.addi %add3A_281, %get3A_283 : vector<16xi32>
    %swap3A = arith.constant 0 : index
    %swap3A_291 = tpu.vector_load %arg9[%swap3A] {strides = array<i32>} : memref<64xi32, #tpu.memory_space<vmem>>, vector<16xi32>,
    tpu.vector_store %arg9[%swap3A], %add3A_289 {strides = array<i32>} : memref<64xi32, #tpu.memory_space<vmem>>, vector<16xi32>,
    %swap3A_292 = arith.constant 0 : index
    %swap3A_293 = tpu.vector_load %arg10[%swap3A_292] {strides = array<i32>} : memref<64xi32, #tpu.memory_space<vmem>>, vector<16xi32>,
    tpu.vector_store %arg10[%swap3A_292], %add3A_290 {strides = array<i32>} : memref<64xi32, #tpu.memory_space<vmem>>, vector<16xi32>,
    %broadcast_in_dim3A_294 = arith.constant 0 : i32
    %broadcast_in_dim3A_295 = vector.broadcast %broadcast_in_dim3A_294 : i32 to vector<16xi32>
    %broadcast_in_dim3A_296 = arith.constant 0 : i32
    %broadcast_in_dim3A_297 = vector.broadcast %broadcast_in_dim3A_296 : i32 to vector<16xi32>
    %get3A_298 = arith.constant 16 : index
    %get3A_299 = tpu.vector_load %arg6[%get3A_298] {strides = array<i32>} : memref<2048xi32, #tpu.memory_space<vmem>>, vector<16xi32>,
    %lt3A_300 = arith.constant 0 : i32
    %lt3A_301 = arith.cmpi slt, %lt3A_300, %add3A : i32
    %convert_element_type3A_302 = arith.extui %lt3A_301 : i1 to i32
    %mul3A_303 = vector.broadcast %convert_element_type3A_302 : i32 to vector<16xi32>
    %mul3A_304 = arith.muli %get3A_299, %mul3A_303 : vector<16xi32>
    %add3A_305 = arith.addi %broadcast_in_dim3A_295, %mul3A_304 : vector<16xi32>
    %add3A_306 = arith.addi %broadcast_in_dim3A_297, %get3A_299 : vector<16xi32>
    %get3A_307 = arith.constant 80 : index
    %get3A_308 = tpu.vector_load %arg6[%get3A_307] {strides = array<i32>} : memref<2048xi32, #tpu.memory_space<vmem>>, vector<16xi32>,
    %lt3A_309 = arith.constant 1 : i32
    %lt3A_310 = arith.cmpi slt, %lt3A_309, %add3A : i32
    %convert_element_type3A_311 = arith.extui %lt3A_310 : i1 to i32
    %mul3A_312 = vector.broadcast %convert_element_type3A_311 : i32 to vector<16xi32>
    %mul3A_313 = arith.muli %get3A_308, %mul3A_312 : vector<16xi32>
    %add3A_314 = arith.addi %add3A_305, %mul3A_313 : vector<16xi32>
    %add3A_315 = arith.addi %add3A_306, %get3A_308 : vector<16xi32>
    %get3A_316 = arith.constant 144 : index
    %get3A_317 = tpu.vector_load %arg6[%get3A_316] {strides = array<i32>} : memref<2048xi32, #tpu.memory_space<vmem>>, vector<16xi32>,
    %lt3A_318 = arith.constant 2 : i32
    %lt3A_319 = arith.cmpi slt, %lt3A_318, %add3A : i32
    %convert_element_type3A_320 = arith.extui %lt3A_319 : i1 to i32
    %mul3A_321 = vector.broadcast %convert_element_type3A_320 : i32 to vector<16xi32>
    %mul3A_322 = arith.muli %get3A_317, %mul3A_321 : vector<16xi32>
    %add3A_323 = arith.addi %add3A_314, %mul3A_322 : vector<16xi32>
    %add3A_324 = arith.addi %add3A_315, %get3A_317 : vector<16xi32>
    %get3A_325 = arith.constant 208 : index
    %get3A_326 = tpu.vector_load %arg6[%get3A_325] {strides = array<i32>} : memref<2048xi32, #tpu.memory_space<vmem>>, vector<16xi32>,
    %lt3A_327 = arith.constant 3 : i32
    %lt3A_328 = arith.cmpi slt, %lt3A_327, %add3A : i32
    %convert_element_type3A_329 = arith.extui %lt3A_328 : i1 to i32
    %mul3A_330 = vector.broadcast %convert_element_type3A_329 : i32 to vector<16xi32>
    %mul3A_331 = arith.muli %get3A_326, %mul3A_330 : vector<16xi32>
    %add3A_332 = arith.addi %add3A_323, %mul3A_331 : vector<16xi32>
    %add3A_333 = arith.addi %add3A_324, %get3A_326 : vector<16xi32>
    %get3A_334 = arith.constant 272 : index
    %get3A_335 = tpu.vector_load %arg6[%get3A_334] {strides = array<i32>} : memref<2048xi32, #tpu.memory_space<vmem>>, vector<16xi32>,
    %lt3A_336 = arith.constant 4 : i32
    %lt3A_337 = arith.cmpi slt, %lt3A_336, %add3A : i32
    %convert_element_type3A_338 = arith.extui %lt3A_337 : i1 to i32
    %mul3A_339 = vector.broadcast %convert_element_type3A_338 : i32 to vector<16xi32>
    %mul3A_340 = arith.muli %get3A_335, %mul3A_339 : vector<16xi32>
    %add3A_341 = arith.addi %add3A_332, %mul3A_340 : vector<16xi32>
    %add3A_342 = arith.addi %add3A_333, %get3A_335 : vector<16xi32>
    %get3A_343 = arith.constant 336 : index
    %get3A_344 = tpu.vector_load %arg6[%get3A_343] {strides = array<i32>} : memref<2048xi32, #tpu.memory_space<vmem>>, vector<16xi32>,
    %lt3A_345 = arith.constant 5 : i32
    %lt3A_346 = arith.cmpi slt, %lt3A_345, %add3A : i32
    %convert_element_type3A_347 = arith.extui %lt3A_346 : i1 to i32
    %mul3A_348 = vector.broadcast %convert_element_type3A_347 : i32 to vector<16xi32>
    %mul3A_349 = arith.muli %get3A_344, %mul3A_348 : vector<16xi32>
    %add3A_350 = arith.addi %add3A_341, %mul3A_349 : vector<16xi32>
    %add3A_351 = arith.addi %add3A_342, %get3A_344 : vector<16xi32>
    %get3A_352 = arith.constant 400 : index
    %get3A_353 = tpu.vector_load %arg6[%get3A_352] {strides = array<i32>} : memref<2048xi32, #tpu.memory_space<vmem>>, vector<16xi32>,
    %lt3A_354 = arith.constant 6 : i32
    %lt3A_355 = arith.cmpi slt, %lt3A_354, %add3A : i32
    %convert_element_type3A_356 = arith.extui %lt3A_355 : i1 to i32
    %mul3A_357 = vector.broadcast %convert_element_type3A_356 : i32 to vector<16xi32>
    %mul3A_358 = arith.muli %get3A_353, %mul3A_357 : vector<16xi32>
    %add3A_359 = arith.addi %add3A_350, %mul3A_358 : vector<16xi32>
    %add3A_360 = arith.addi %add3A_351, %get3A_353 : vector<16xi32>
    %get3A_361 = arith.constant 464 : index
    %get3A_362 = tpu.vector_load %arg6[%get3A_361] {strides = array<i32>} : memref<2048xi32, #tpu.memory_space<vmem>>, vector<16xi32>,
    %lt3A_363 = arith.constant 7 : i32
    %lt3A_364 = arith.cmpi slt, %lt3A_363, %add3A : i32
    %convert_element_type3A_365 = arith.extui %lt3A_364 : i1 to i32
    %mul3A_366 = vector.broadcast %convert_element_type3A_365 : i32 to vector<16xi32>
    %mul3A_367 = arith.muli %get3A_362, %mul3A_366 : vector<16xi32>
    %add3A_368 = arith.addi %add3A_359, %mul3A_367 : vector<16xi32>
    %add3A_369 = arith.addi %add3A_360, %get3A_362 : vector<16xi32>
    %get3A_370 = arith.constant 528 : index
    %get3A_371 = tpu.vector_load %arg6[%get3A_370] {strides = array<i32>} : memref<2048xi32, #tpu.memory_space<vmem>>, vector<16xi32>,
    %lt3A_372 = arith.constant 8 : i32
    %lt3A_373 = arith.cmpi slt, %lt3A_372, %add3A : i32
    %convert_element_type3A_374 = arith.extui %lt3A_373 : i1 to i32
    %mul3A_375 = vector.broadcast %convert_element_type3A_374 : i32 to vector<16xi32>
    %mul3A_376 = arith.muli %get3A_371, %mul3A_375 : vector<16xi32>
    %add3A_377 = arith.addi %add3A_368, %mul3A_376 : vector<16xi32>
    %add3A_378 = arith.addi %add3A_369, %get3A_371 : vector<16xi32>
    %get3A_379 = arith.constant 592 : index
    %get3A_380 = tpu.vector_load %arg6[%get3A_379] {strides = array<i32>} : memref<2048xi32, #tpu.memory_space<vmem>>, vector<16xi32>,
    %lt3A_381 = arith.constant 9 : i32
    %lt3A_382 = arith.cmpi slt, %lt3A_381, %add3A : i32
    %convert_element_type3A_383 = arith.extui %lt3A_382 : i1 to i32
    %mul3A_384 = vector.broadcast %convert_element_type3A_383 : i32 to vector<16xi32>
    %mul3A_385 = arith.muli %get3A_380, %mul3A_384 : vector<16xi32>
    %add3A_386 = arith.addi %add3A_377, %mul3A_385 : vector<16xi32>
    %add3A_387 = arith.addi %add3A_378, %get3A_380 : vector<16xi32>
    %get3A_388 = arith.constant 656 : index
    %get3A_389 = tpu.vector_load %arg6[%get3A_388] {strides = array<i32>} : memref<2048xi32, #tpu.memory_space<vmem>>, vector<16xi32>,
    %lt3A_390 = arith.constant 10 : i32
    %lt3A_391 = arith.cmpi slt, %lt3A_390, %add3A : i32
    %convert_element_type3A_392 = arith.extui %lt3A_391 : i1 to i32
    %mul3A_393 = vector.broadcast %convert_element_type3A_392 : i32 to vector<16xi32>
    %mul3A_394 = arith.muli %get3A_389, %mul3A_393 : vector<16xi32>
    %add3A_395 = arith.addi %add3A_386, %mul3A_394 : vector<16xi32>
    %add3A_396 = arith.addi %add3A_387, %get3A_389 : vector<16xi32>
    %get3A_397 = arith.constant 720 : index
    %get3A_398 = tpu.vector_load %arg6[%get3A_397] {strides = array<i32>} : memref<2048xi32, #tpu.memory_space<vmem>>, vector<16xi32>,
    %lt3A_399 = arith.constant 11 : i32
    %lt3A_400 = arith.cmpi slt, %lt3A_399, %add3A : i32
    %convert_element_type3A_401 = arith.extui %lt3A_400 : i1 to i32
    %mul3A_402 = vector.broadcast %convert_element_type3A_401 : i32 to vector<16xi32>
    %mul3A_403 = arith.muli %get3A_398, %mul3A_402 : vector<16xi32>
    %add3A_404 = arith.addi %add3A_395, %mul3A_403 : vector<16xi32>
    %add3A_405 = arith.addi %add3A_396, %get3A_398 : vector<16xi32>
    %get3A_406 = arith.constant 784 : index
    %get3A_407 = tpu.vector_load %arg6[%get3A_406] {strides = array<i32>} : memref<2048xi32, #tpu.memory_space<vmem>>, vector<16xi32>,
    %lt3A_408 = arith.constant 12 : i32
    %lt3A_409 = arith.cmpi slt, %lt3A_408, %add3A : i32
    %convert_element_type3A_410 = arith.extui %lt3A_409 : i1 to i32
    %mul3A_411 = vector.broadcast %convert_element_type3A_410 : i32 to vector<16xi32>
    %mul3A_412 = arith.muli %get3A_407, %mul3A_411 : vector<16xi32>
    %add3A_413 = arith.addi %add3A_404, %mul3A_412 : vector<16xi32>
    %add3A_414 = arith.addi %add3A_405, %get3A_407 : vector<16xi32>
    %get3A_415 = arith.constant 848 : index
    %get3A_416 = tpu.vector_load %arg6[%get3A_415] {strides = array<i32>} : memref<2048xi32, #tpu.memory_space<vmem>>, vector<16xi32>,
    %lt3A_417 = arith.constant 13 : i32
    %lt3A_418 = arith.cmpi slt, %lt3A_417, %add3A : i32
    %convert_element_type3A_419 = arith.extui %lt3A_418 : i1 to i32
    %mul3A_420 = vector.broadcast %convert_element_type3A_419 : i32 to vector<16xi32>
    %mul3A_421 = arith.muli %get3A_416, %mul3A_420 : vector<16xi32>
    %add3A_422 = arith.addi %add3A_413, %mul3A_421 : vector<16xi32>
    %add3A_423 = arith.addi %add3A_414, %get3A_416 : vector<16xi32>
    %get3A_424 = arith.constant 912 : index
    %get3A_425 = tpu.vector_load %arg6[%get3A_424] {strides = array<i32>} : memref<2048xi32, #tpu.memory_space<vmem>>, vector<16xi32>,
    %lt3A_426 = arith.constant 14 : i32
    %lt3A_427 = arith.cmpi slt, %lt3A_426, %add3A : i32
    %convert_element_type3A_428 = arith.extui %lt3A_427 : i1 to i32
    %mul3A_429 = vector.broadcast %convert_element_type3A_428 : i32 to vector<16xi32>
    %mul3A_430 = arith.muli %get3A_425, %mul3A_429 : vector<16xi32>
    %add3A_431 = arith.addi %add3A_422, %mul3A_430 : vector<16xi32>
    %add3A_432 = arith.addi %add3A_423, %get3A_425 : vector<16xi32>
    %get3A_433 = arith.constant 976 : index
    %get3A_434 = tpu.vector_load %arg6[%get3A_433] {strides = array<i32>} : memref<2048xi32, #tpu.memory_space<vmem>>, vector<16xi32>,
    %lt3A_435 = arith.constant 15 : i32
    %lt3A_436 = arith.cmpi slt, %lt3A_435, %add3A : i32
    %convert_element_type3A_437 = arith.extui %lt3A_436 : i1 to i32
    %mul3A_438 = vector.broadcast %convert_element_type3A_437 : i32 to vector<16xi32>
    %mul3A_439 = arith.muli %get3A_434, %mul3A_438 : vector<16xi32>
    %add3A_440 = arith.addi %add3A_431, %mul3A_439 : vector<16xi32>
    %add3A_441 = arith.addi %add3A_432, %get3A_434 : vector<16xi32>
    %get3A_442 = arith.constant 1040 : index
    %get3A_443 = tpu.vector_load %arg6[%get3A_442] {strides = array<i32>} : memref<2048xi32, #tpu.memory_space<vmem>>, vector<16xi32>,
    %lt3A_444 = arith.constant 16 : i32
    %lt3A_445 = arith.cmpi slt, %lt3A_444, %add3A : i32
    %convert_element_type3A_446 = arith.extui %lt3A_445 : i1 to i32
    %mul3A_447 = vector.broadcast %convert_element_type3A_446 : i32 to vector<16xi32>
    %mul3A_448 = arith.muli %get3A_443, %mul3A_447 : vector<16xi32>
    %add3A_449 = arith.addi %add3A_440, %mul3A_448 : vector<16xi32>
    %add3A_450 = arith.addi %add3A_441, %get3A_443 : vector<16xi32>
    %get3A_451 = arith.constant 1104 : index
    %get3A_452 = tpu.vector_load %arg6[%get3A_451] {strides = array<i32>} : memref<2048xi32, #tpu.memory_space<vmem>>, vector<16xi32>,
    %lt3A_453 = arith.constant 17 : i32
    %lt3A_454 = arith.cmpi slt, %lt3A_453, %add3A : i32
    %convert_element_type3A_455 = arith.extui %lt3A_454 : i1 to i32
    %mul3A_456 = vector.broadcast %convert_element_type3A_455 : i32 to vector<16xi32>
    %mul3A_457 = arith.muli %get3A_452, %mul3A_456 : vector<16xi32>
    %add3A_458 = arith.addi %add3A_449, %mul3A_457 : vector<16xi32>
    %add3A_459 = arith.addi %add3A_450, %get3A_452 : vector<16xi32>
    %get3A_460 = arith.constant 1168 : index
    %get3A_461 = tpu.vector_load %arg6[%get3A_460] {strides = array<i32>} : memref<2048xi32, #tpu.memory_space<vmem>>, vector<16xi32>,
    %lt3A_462 = arith.constant 18 : i32
    %lt3A_463 = arith.cmpi slt, %lt3A_462, %add3A : i32
    %convert_element_type3A_464 = arith.extui %lt3A_463 : i1 to i32
    %mul3A_465 = vector.broadcast %convert_element_type3A_464 : i32 to vector<16xi32>
    %mul3A_466 = arith.muli %get3A_461, %mul3A_465 : vector<16xi32>
    %add3A_467 = arith.addi %add3A_458, %mul3A_466 : vector<16xi32>
    %add3A_468 = arith.addi %add3A_459, %get3A_461 : vector<16xi32>
    %get3A_469 = arith.constant 1232 : index
    %get3A_470 = tpu.vector_load %arg6[%get3A_469] {strides = array<i32>} : memref<2048xi32, #tpu.memory_space<vmem>>, vector<16xi32>,
    %lt3A_471 = arith.constant 19 : i32
    %lt3A_472 = arith.cmpi slt, %lt3A_471, %add3A : i32
    %convert_element_type3A_473 = arith.extui %lt3A_472 : i1 to i32
    %mul3A_474 = vector.broadcast %convert_element_type3A_473 : i32 to vector<16xi32>
    %mul3A_475 = arith.muli %get3A_470, %mul3A_474 : vector<16xi32>
    %add3A_476 = arith.addi %add3A_467, %mul3A_475 : vector<16xi32>
    %add3A_477 = arith.addi %add3A_468, %get3A_470 : vector<16xi32>
    %get3A_478 = arith.constant 1296 : index
    %get3A_479 = tpu.vector_load %arg6[%get3A_478] {strides = array<i32>} : memref<2048xi32, #tpu.memory_space<vmem>>, vector<16xi32>,
    %lt3A_480 = arith.constant 20 : i32
    %lt3A_481 = arith.cmpi slt, %lt3A_480, %add3A : i32
    %convert_element_type3A_482 = arith.extui %lt3A_481 : i1 to i32
    %mul3A_483 = vector.broadcast %convert_element_type3A_482 : i32 to vector<16xi32>
    %mul3A_484 = arith.muli %get3A_479, %mul3A_483 : vector<16xi32>
    %add3A_485 = arith.addi %add3A_476, %mul3A_484 : vector<16xi32>
    %add3A_486 = arith.addi %add3A_477, %get3A_479 : vector<16xi32>
    %get3A_487 = arith.constant 1360 : index
    %get3A_488 = tpu.vector_load %arg6[%get3A_487] {strides = array<i32>} : memref<2048xi32, #tpu.memory_space<vmem>>, vector<16xi32>,
    %lt3A_489 = arith.constant 21 : i32
    %lt3A_490 = arith.cmpi slt, %lt3A_489, %add3A : i32
    %convert_element_type3A_491 = arith.extui %lt3A_490 : i1 to i32
    %mul3A_492 = vector.broadcast %convert_element_type3A_491 : i32 to vector<16xi32>
    %mul3A_493 = arith.muli %get3A_488, %mul3A_492 : vector<16xi32>
    %add3A_494 = arith.addi %add3A_485, %mul3A_493 : vector<16xi32>
    %add3A_495 = arith.addi %add3A_486, %get3A_488 : vector<16xi32>
    %get3A_496 = arith.constant 1424 : index
    %get3A_497 = tpu.vector_load %arg6[%get3A_496] {strides = array<i32>} : memref<2048xi32, #tpu.memory_space<vmem>>, vector<16xi32>,
    %lt3A_498 = arith.constant 22 : i32
    %lt3A_499 = arith.cmpi slt, %lt3A_498, %add3A : i32
    %convert_element_type3A_500 = arith.extui %lt3A_499 : i1 to i32
    %mul3A_501 = vector.broadcast %convert_element_type3A_500 : i32 to vector<16xi32>
    %mul3A_502 = arith.muli %get3A_497, %mul3A_501 : vector<16xi32>
    %add3A_503 = arith.addi %add3A_494, %mul3A_502 : vector<16xi32>
    %add3A_504 = arith.addi %add3A_495, %get3A_497 : vector<16xi32>
    %get3A_505 = arith.constant 1488 : index
    %get3A_506 = tpu.vector_load %arg6[%get3A_505] {strides = array<i32>} : memref<2048xi32, #tpu.memory_space<vmem>>, vector<16xi32>,
    %lt3A_507 = arith.constant 23 : i32
    %lt3A_508 = arith.cmpi slt, %lt3A_507, %add3A : i32
    %convert_element_type3A_509 = arith.extui %lt3A_508 : i1 to i32
    %mul3A_510 = vector.broadcast %convert_element_type3A_509 : i32 to vector<16xi32>
    %mul3A_511 = arith.muli %get3A_506, %mul3A_510 : vector<16xi32>
    %add3A_512 = arith.addi %add3A_503, %mul3A_511 : vector<16xi32>
    %add3A_513 = arith.addi %add3A_504, %get3A_506 : vector<16xi32>
    %get3A_514 = arith.constant 1552 : index
    %get3A_515 = tpu.vector_load %arg6[%get3A_514] {strides = array<i32>} : memref<2048xi32, #tpu.memory_space<vmem>>, vector<16xi32>,
    %lt3A_516 = arith.constant 24 : i32
    %lt3A_517 = arith.cmpi slt, %lt3A_516, %add3A : i32
    %convert_element_type3A_518 = arith.extui %lt3A_517 : i1 to i32
    %mul3A_519 = vector.broadcast %convert_element_type3A_518 : i32 to vector<16xi32>
    %mul3A_520 = arith.muli %get3A_515, %mul3A_519 : vector<16xi32>
    %add3A_521 = arith.addi %add3A_512, %mul3A_520 : vector<16xi32>
    %add3A_522 = arith.addi %add3A_513, %get3A_515 : vector<16xi32>
    %get3A_523 = arith.constant 1616 : index
    %get3A_524 = tpu.vector_load %arg6[%get3A_523] {strides = array<i32>} : memref<2048xi32, #tpu.memory_space<vmem>>, vector<16xi32>,
    %lt3A_525 = arith.constant 25 : i32
    %lt3A_526 = arith.cmpi slt, %lt3A_525, %add3A : i32
    %convert_element_type3A_527 = arith.extui %lt3A_526 : i1 to i32
    %mul3A_528 = vector.broadcast %convert_element_type3A_527 : i32 to vector<16xi32>
    %mul3A_529 = arith.muli %get3A_524, %mul3A_528 : vector<16xi32>
    %add3A_530 = arith.addi %add3A_521, %mul3A_529 : vector<16xi32>
    %add3A_531 = arith.addi %add3A_522, %get3A_524 : vector<16xi32>
    %get3A_532 = arith.constant 1680 : index
    %get3A_533 = tpu.vector_load %arg6[%get3A_532] {strides = array<i32>} : memref<2048xi32, #tpu.memory_space<vmem>>, vector<16xi32>,
    %lt3A_534 = arith.constant 26 : i32
    %lt3A_535 = arith.cmpi slt, %lt3A_534, %add3A : i32
    %convert_element_type3A_536 = arith.extui %lt3A_535 : i1 to i32
    %mul3A_537 = vector.broadcast %convert_element_type3A_536 : i32 to vector<16xi32>
    %mul3A_538 = arith.muli %get3A_533, %mul3A_537 : vector<16xi32>
    %add3A_539 = arith.addi %add3A_530, %mul3A_538 : vector<16xi32>
    %add3A_540 = arith.addi %add3A_531, %get3A_533 : vector<16xi32>
    %get3A_541 = arith.constant 1744 : index
    %get3A_542 = tpu.vector_load %arg6[%get3A_541] {strides = array<i32>} : memref<2048xi32, #tpu.memory_space<vmem>>, vector<16xi32>,
    %lt3A_543 = arith.constant 27 : i32
    %lt3A_544 = arith.cmpi slt, %lt3A_543, %add3A : i32
    %convert_element_type3A_545 = arith.extui %lt3A_544 : i1 to i32
    %mul3A_546 = vector.broadcast %convert_element_type3A_545 : i32 to vector<16xi32>
    %mul3A_547 = arith.muli %get3A_542, %mul3A_546 : vector<16xi32>
    %add3A_548 = arith.addi %add3A_539, %mul3A_547 : vector<16xi32>
    %add3A_549 = arith.addi %add3A_540, %get3A_542 : vector<16xi32>
    %get3A_550 = arith.constant 1808 : index
    %get3A_551 = tpu.vector_load %arg6[%get3A_550] {strides = array<i32>} : memref<2048xi32, #tpu.memory_space<vmem>>, vector<16xi32>,
    %lt3A_552 = arith.constant 28 : i32
    %lt3A_553 = arith.cmpi slt, %lt3A_552, %add3A : i32
    %convert_element_type3A_554 = arith.extui %lt3A_553 : i1 to i32
    %mul3A_555 = vector.broadcast %convert_element_type3A_554 : i32 to vector<16xi32>
    %mul3A_556 = arith.muli %get3A_551, %mul3A_555 : vector<16xi32>
    %add3A_557 = arith.addi %add3A_548, %mul3A_556 : vector<16xi32>
    %add3A_558 = arith.addi %add3A_549, %get3A_551 : vector<16xi32>
    %get3A_559 = arith.constant 1872 : index
    %get3A_560 = tpu.vector_load %arg6[%get3A_559] {strides = array<i32>} : memref<2048xi32, #tpu.memory_space<vmem>>, vector<16xi32>,
    %lt3A_561 = arith.constant 29 : i32
    %lt3A_562 = arith.cmpi slt, %lt3A_561, %add3A : i32
    %convert_element_type3A_563 = arith.extui %lt3A_562 : i1 to i32
    %mul3A_564 = vector.broadcast %convert_element_type3A_563 : i32 to vector<16xi32>
    %mul3A_565 = arith.muli %get3A_560, %mul3A_564 : vector<16xi32>
    %add3A_566 = arith.addi %add3A_557, %mul3A_565 : vector<16xi32>
    %add3A_567 = arith.addi %add3A_558, %get3A_560 : vector<16xi32>
    %get3A_568 = arith.constant 1936 : index
    %get3A_569 = tpu.vector_load %arg6[%get3A_568] {strides = array<i32>} : memref<2048xi32, #tpu.memory_space<vmem>>, vector<16xi32>,
    %lt3A_570 = arith.constant 30 : i32
    %lt3A_571 = arith.cmpi slt, %lt3A_570, %add3A : i32
    %convert_element_type3A_572 = arith.extui %lt3A_571 : i1 to i32
    %mul3A_573 = vector.broadcast %convert_element_type3A_572 : i32 to vector<16xi32>
    %mul3A_574 = arith.muli %get3A_569, %mul3A_573 : vector<16xi32>
    %add3A_575 = arith.addi %add3A_566, %mul3A_574 : vector<16xi32>
    %add3A_576 = arith.addi %add3A_567, %get3A_569 : vector<16xi32>
    %get3A_577 = arith.constant 2000 : index
    %get3A_578 = tpu.vector_load %arg6[%get3A_577] {strides = array<i32>} : memref<2048xi32, #tpu.memory_space<vmem>>, vector<16xi32>,
    %lt3A_579 = arith.constant 31 : i32
    %lt3A_580 = arith.cmpi slt, %lt3A_579, %add3A : i32
    %convert_element_type3A_581 = arith.extui %lt3A_580 : i1 to i32
    %mul3A_582 = vector.broadcast %convert_element_type3A_581 : i32 to vector<16xi32>
    %mul3A_583 = arith.muli %get3A_578, %mul3A_582 : vector<16xi32>
    %add3A_584 = arith.addi %add3A_575, %mul3A_583 : vector<16xi32>
    %add3A_585 = arith.addi %add3A_576, %get3A_578 : vector<16xi32>
    %swap3A_586 = arith.constant 16 : index
    %swap3A_587 = tpu.vector_load %arg9[%swap3A_586] {strides = array<i32>} : memref<64xi32, #tpu.memory_space<vmem>>, vector<16xi32>,
    tpu.vector_store %arg9[%swap3A_586], %add3A_584 {strides = array<i32>} : memref<64xi32, #tpu.memory_space<vmem>>, vector<16xi32>,
    %swap3A_588 = arith.constant 16 : index
    %swap3A_589 = tpu.vector_load %arg10[%swap3A_588] {strides = array<i32>} : memref<64xi32, #tpu.memory_space<vmem>>, vector<16xi32>,
    tpu.vector_store %arg10[%swap3A_588], %add3A_585 {strides = array<i32>} : memref<64xi32, #tpu.memory_space<vmem>>, vector<16xi32>,
    %broadcast_in_dim3A_590 = arith.constant 0 : i32
    %broadcast_in_dim3A_591 = vector.broadcast %broadcast_in_dim3A_590 : i32 to vector<16xi32>
    %broadcast_in_dim3A_592 = arith.constant 0 : i32
    %broadcast_in_dim3A_593 = vector.broadcast %broadcast_in_dim3A_592 : i32 to vector<16xi32>
    %get3A_594 = arith.constant 32 : index
    %get3A_595 = tpu.vector_load %arg6[%get3A_594] {strides = array<i32>} : memref<2048xi32, #tpu.memory_space<vmem>>, vector<16xi32>,
    %lt3A_596 = arith.constant 0 : i32
    %lt3A_597 = arith.cmpi slt, %lt3A_596, %add3A : i32
    %convert_element_type3A_598 = arith.extui %lt3A_597 : i1 to i32
    %mul3A_599 = vector.broadcast %convert_element_type3A_598 : i32 to vector<16xi32>
    %mul3A_600 = arith.muli %get3A_595, %mul3A_599 : vector<16xi32>
    %add3A_601 = arith.addi %broadcast_in_dim3A_591, %mul3A_600 : vector<16xi32>
    %add3A_602 = arith.addi %broadcast_in_dim3A_593, %get3A_595 : vector<16xi32>
    %get3A_603 = arith.constant 96 : index
    %get3A_604 = tpu.vector_load %arg6[%get3A_603] {strides = array<i32>} : memref<2048xi32, #tpu.memory_space<vmem>>, vector<16xi32>,
    %lt3A_605 = arith.constant 1 : i32
    %lt3A_606 = arith.cmpi slt, %lt3A_605, %add3A : i32
    %convert_element_type3A_607 = arith.extui %lt3A_606 : i1 to i32
    %mul3A_608 = vector.broadcast %convert_element_type3A_607 : i32 to vector<16xi32>
    %mul3A_609 = arith.muli %get3A_604, %mul3A_608 : vector<16xi32>
    %add3A_610 = arith.addi %add3A_601, %mul3A_609 : vector<16xi32>
    %add3A_611 = arith.addi %add3A_602, %get3A_604 : vector<16xi32>
    %get3A_612 = arith.constant 160 : index
    %get3A_613 = tpu.vector_load %arg6[%get3A_612] {strides = array<i32>} : memref<2048xi32, #tpu.memory_space<vmem>>, vector<16xi32>,
    %lt3A_614 = arith.constant 2 : i32
    %lt3A_615 = arith.cmpi slt, %lt3A_614, %add3A : i32
    %convert_element_type3A_616 = arith.extui %lt3A_615 : i1 to i32
    %mul3A_617 = vector.broadcast %convert_element_type3A_616 : i32 to vector<16xi32>
    %mul3A_618 = arith.muli %get3A_613, %mul3A_617 : vector<16xi32>
    %add3A_619 = arith.addi %add3A_610, %mul3A_618 : vector<16xi32>
    %add3A_620 = arith.addi %add3A_611, %get3A_613 : vector<16xi32>
    %get3A_621 = arith.constant 224 : index
    %get3A_622 = tpu.vector_load %arg6[%get3A_621] {strides = array<i32>} : memref<2048xi32, #tpu.memory_space<vmem>>, vector<16xi32>,
    %lt3A_623 = arith.constant 3 : i32
    %lt3A_624 = arith.cmpi slt, %lt3A_623, %add3A : i32
    %convert_element_type3A_625 = arith.extui %lt3A_624 : i1 to i32
    %mul3A_626 = vector.broadcast %convert_element_type3A_625 : i32 to vector<16xi32>
    %mul3A_627 = arith.muli %get3A_622, %mul3A_626 : vector<16xi32>
    %add3A_628 = arith.addi %add3A_619, %mul3A_627 : vector<16xi32>
    %add3A_629 = arith.addi %add3A_620, %get3A_622 : vector<16xi32>
    %get3A_630 = arith.constant 288 : index
    %get3A_631 = tpu.vector_load %arg6[%get3A_630] {strides = array<i32>} : memref<2048xi32, #tpu.memory_space<vmem>>, vector<16xi32>,
    %lt3A_632 = arith.constant 4 : i32
    %lt3A_633 = arith.cmpi slt, %lt3A_632, %add3A : i32
    %convert_element_type3A_634 = arith.extui %lt3A_633 : i1 to i32
    %mul3A_635 = vector.broadcast %convert_element_type3A_634 : i32 to vector<16xi32>
    %mul3A_636 = arith.muli %get3A_631, %mul3A_635 : vector<16xi32>
    %add3A_637 = arith.addi %add3A_628, %mul3A_636 : vector<16xi32>
    %add3A_638 = arith.addi %add3A_629, %get3A_631 : vector<16xi32>
    %get3A_639 = arith.constant 352 : index
    %get3A_640 = tpu.vector_load %arg6[%get3A_639] {strides = array<i32>} : memref<2048xi32, #tpu.memory_space<vmem>>, vector<16xi32>,
    %lt3A_641 = arith.constant 5 : i32
    %lt3A_642 = arith.cmpi slt, %lt3A_641, %add3A : i32
    %convert_element_type3A_643 = arith.extui %lt3A_642 : i1 to i32
    %mul3A_644 = vector.broadcast %convert_element_type3A_643 : i32 to vector<16xi32>
    %mul3A_645 = arith.muli %get3A_640, %mul3A_644 : vector<16xi32>
    %add3A_646 = arith.addi %add3A_637, %mul3A_645 : vector<16xi32>
    %add3A_647 = arith.addi %add3A_638, %get3A_640 : vector<16xi32>
    %get3A_648 = arith.constant 416 : index
    %get3A_649 = tpu.vector_load %arg6[%get3A_648] {strides = array<i32>} : memref<2048xi32, #tpu.memory_space<vmem>>, vector<16xi32>,
    %lt3A_650 = arith.constant 6 : i32
    %lt3A_651 = arith.cmpi slt, %lt3A_650, %add3A : i32
    %convert_element_type3A_652 = arith.extui %lt3A_651 : i1 to i32
    %mul3A_653 = vector.broadcast %convert_element_type3A_652 : i32 to vector<16xi32>
    %mul3A_654 = arith.muli %get3A_649, %mul3A_653 : vector<16xi32>
    %add3A_655 = arith.addi %add3A_646, %mul3A_654 : vector<16xi32>
    %add3A_656 = arith.addi %add3A_647, %get3A_649 : vector<16xi32>
    %get3A_657 = arith.constant 480 : index
    %get3A_658 = tpu.vector_load %arg6[%get3A_657] {strides = array<i32>} : memref<2048xi32, #tpu.memory_space<vmem>>, vector<16xi32>,
    %lt3A_659 = arith.constant 7 : i32
    %lt3A_660 = arith.cmpi slt, %lt3A_659, %add3A : i32
    %convert_element_type3A_661 = arith.extui %lt3A_660 : i1 to i32
    %mul3A_662 = vector.broadcast %convert_element_type3A_661 : i32 to vector<16xi32>
    %mul3A_663 = arith.muli %get3A_658, %mul3A_662 : vector<16xi32>
    %add3A_664 = arith.addi %add3A_655, %mul3A_663 : vector<16xi32>
    %add3A_665 = arith.addi %add3A_656, %get3A_658 : vector<16xi32>
    %get3A_666 = arith.constant 544 : index
    %get3A_667 = tpu.vector_load %arg6[%get3A_666] {strides = array<i32>} : memref<2048xi32, #tpu.memory_space<vmem>>, vector<16xi32>,
    %lt3A_668 = arith.constant 8 : i32
    %lt3A_669 = arith.cmpi slt, %lt3A_668, %add3A : i32
    %convert_element_type3A_670 = arith.extui %lt3A_669 : i1 to i32
    %mul3A_671 = vector.broadcast %convert_element_type3A_670 : i32 to vector<16xi32>
    %mul3A_672 = arith.muli %get3A_667, %mul3A_671 : vector<16xi32>
    %add3A_673 = arith.addi %add3A_664, %mul3A_672 : vector<16xi32>
    %add3A_674 = arith.addi %add3A_665, %get3A_667 : vector<16xi32>
    %get3A_675 = arith.constant 608 : index
    %get3A_676 = tpu.vector_load %arg6[%get3A_675] {strides = array<i32>} : memref<2048xi32, #tpu.memory_space<vmem>>, vector<16xi32>,
    %lt3A_677 = arith.constant 9 : i32
    %lt3A_678 = arith.cmpi slt, %lt3A_677, %add3A : i32
    %convert_element_type3A_679 = arith.extui %lt3A_678 : i1 to i32
    %mul3A_680 = vector.broadcast %convert_element_type3A_679 : i32 to vector<16xi32>
    %mul3A_681 = arith.muli %get3A_676, %mul3A_680 : vector<16xi32>
    %add3A_682 = arith.addi %add3A_673, %mul3A_681 : vector<16xi32>
    %add3A_683 = arith.addi %add3A_674, %get3A_676 : vector<16xi32>
    %get3A_684 = arith.constant 672 : index
    %get3A_685 = tpu.vector_load %arg6[%get3A_684] {strides = array<i32>} : memref<2048xi32, #tpu.memory_space<vmem>>, vector<16xi32>,
    %lt3A_686 = arith.constant 10 : i32
    %lt3A_687 = arith.cmpi slt, %lt3A_686, %add3A : i32
    %convert_element_type3A_688 = arith.extui %lt3A_687 : i1 to i32
    %mul3A_689 = vector.broadcast %convert_element_type3A_688 : i32 to vector<16xi32>
    %mul3A_690 = arith.muli %get3A_685, %mul3A_689 : vector<16xi32>
    %add3A_691 = arith.addi %add3A_682, %mul3A_690 : vector<16xi32>
    %add3A_692 = arith.addi %add3A_683, %get3A_685 : vector<16xi32>
    %get3A_693 = arith.constant 736 : index
    %get3A_694 = tpu.vector_load %arg6[%get3A_693] {strides = array<i32>} : memref<2048xi32, #tpu.memory_space<vmem>>, vector<16xi32>,
    %lt3A_695 = arith.constant 11 : i32
    %lt3A_696 = arith.cmpi slt, %lt3A_695, %add3A : i32
    %convert_element_type3A_697 = arith.extui %lt3A_696 : i1 to i32
    %mul3A_698 = vector.broadcast %convert_element_type3A_697 : i32 to vector<16xi32>
    %mul3A_699 = arith.muli %get3A_694, %mul3A_698 : vector<16xi32>
    %add3A_700 = arith.addi %add3A_691, %mul3A_699 : vector<16xi32>
    %add3A_701 = arith.addi %add3A_692, %get3A_694 : vector<16xi32>
    %get3A_702 = arith.constant 800 : index
    %get3A_703 = tpu.vector_load %arg6[%get3A_702] {strides = array<i32>} : memref<2048xi32, #tpu.memory_space<vmem>>, vector<16xi32>,
    %lt3A_704 = arith.constant 12 : i32
    %lt3A_705 = arith.cmpi slt, %lt3A_704, %add3A : i32
    %convert_element_type3A_706 = arith.extui %lt3A_705 : i1 to i32
    %mul3A_707 = vector.broadcast %convert_element_type3A_706 : i32 to vector<16xi32>
    %mul3A_708 = arith.muli %get3A_703, %mul3A_707 : vector<16xi32>
    %add3A_709 = arith.addi %add3A_700, %mul3A_708 : vector<16xi32>
    %add3A_710 = arith.addi %add3A_701, %get3A_703 : vector<16xi32>
    %get3A_711 = arith.constant 864 : index
    %get3A_712 = tpu.vector_load %arg6[%get3A_711] {strides = array<i32>} : memref<2048xi32, #tpu.memory_space<vmem>>, vector<16xi32>,
    %lt3A_713 = arith.constant 13 : i32
    %lt3A_714 = arith.cmpi slt, %lt3A_713, %add3A : i32
    %convert_element_type3A_715 = arith.extui %lt3A_714 : i1 to i32
    %mul3A_716 = vector.broadcast %convert_element_type3A_715 : i32 to vector<16xi32>
    %mul3A_717 = arith.muli %get3A_712, %mul3A_716 : vector<16xi32>
    %add3A_718 = arith.addi %add3A_709, %mul3A_717 : vector<16xi32>
    %add3A_719 = arith.addi %add3A_710, %get3A_712 : vector<16xi32>
    %get3A_720 = arith.constant 928 : index
    %get3A_721 = tpu.vector_load %arg6[%get3A_720] {strides = array<i32>} : memref<2048xi32, #tpu.memory_space<vmem>>, vector<16xi32>,
    %lt3A_722 = arith.constant 14 : i32
    %lt3A_723 = arith.cmpi slt, %lt3A_722, %add3A : i32
    %convert_element_type3A_724 = arith.extui %lt3A_723 : i1 to i32
    %mul3A_725 = vector.broadcast %convert_element_type3A_724 : i32 to vector<16xi32>
    %mul3A_726 = arith.muli %get3A_721, %mul3A_725 : vector<16xi32>
    %add3A_727 = arith.addi %add3A_718, %mul3A_726 : vector<16xi32>
    %add3A_728 = arith.addi %add3A_719, %get3A_721 : vector<16xi32>
    %get3A_729 = arith.constant 992 : index
    %get3A_730 = tpu.vector_load %arg6[%get3A_729] {strides = array<i32>} : memref<2048xi32, #tpu.memory_space<vmem>>, vector<16xi32>,
    %lt3A_731 = arith.constant 15 : i32
    %lt3A_732 = arith.cmpi slt, %lt3A_731, %add3A : i32
    %convert_element_type3A_733 = arith.extui %lt3A_732 : i1 to i32
    %mul3A_734 = vector.broadcast %convert_element_type3A_733 : i32 to vector<16xi32>
    %mul3A_735 = arith.muli %get3A_730, %mul3A_734 : vector<16xi32>
    %add3A_736 = arith.addi %add3A_727, %mul3A_735 : vector<16xi32>
    %add3A_737 = arith.addi %add3A_728, %get3A_730 : vector<16xi32>
    %get3A_738 = arith.constant 1056 : index
    %get3A_739 = tpu.vector_load %arg6[%get3A_738] {strides = array<i32>} : memref<2048xi32, #tpu.memory_space<vmem>>, vector<16xi32>,
    %lt3A_740 = arith.constant 16 : i32
    %lt3A_741 = arith.cmpi slt, %lt3A_740, %add3A : i32
    %convert_element_type3A_742 = arith.extui %lt3A_741 : i1 to i32
    %mul3A_743 = vector.broadcast %convert_element_type3A_742 : i32 to vector<16xi32>
    %mul3A_744 = arith.muli %get3A_739, %mul3A_743 : vector<16xi32>
    %add3A_745 = arith.addi %add3A_736, %mul3A_744 : vector<16xi32>
    %add3A_746 = arith.addi %add3A_737, %get3A_739 : vector<16xi32>
    %get3A_747 = arith.constant 1120 : index
    %get3A_748 = tpu.vector_load %arg6[%get3A_747] {strides = array<i32>} : memref<2048xi32, #tpu.memory_space<vmem>>, vector<16xi32>,
    %lt3A_749 = arith.constant 17 : i32
    %lt3A_750 = arith.cmpi slt, %lt3A_749, %add3A : i32
    %convert_element_type3A_751 = arith.extui %lt3A_750 : i1 to i32
    %mul3A_752 = vector.broadcast %convert_element_type3A_751 : i32 to vector<16xi32>
    %mul3A_753 = arith.muli %get3A_748, %mul3A_752 : vector<16xi32>
    %add3A_754 = arith.addi %add3A_745, %mul3A_753 : vector<16xi32>
    %add3A_755 = arith.addi %add3A_746, %get3A_748 : vector<16xi32>
    %get3A_756 = arith.constant 1184 : index
    %get3A_757 = tpu.vector_load %arg6[%get3A_756] {strides = array<i32>} : memref<2048xi32, #tpu.memory_space<vmem>>, vector<16xi32>,
    %lt3A_758 = arith.constant 18 : i32
    %lt3A_759 = arith.cmpi slt, %lt3A_758, %add3A : i32
    %convert_element_type3A_760 = arith.extui %lt3A_759 : i1 to i32
    %mul3A_761 = vector.broadcast %convert_element_type3A_760 : i32 to vector<16xi32>
    %mul3A_762 = arith.muli %get3A_757, %mul3A_761 : vector<16xi32>
    %add3A_763 = arith.addi %add3A_754, %mul3A_762 : vector<16xi32>
    %add3A_764 = arith.addi %add3A_755, %get3A_757 : vector<16xi32>
    %get3A_765 = arith.constant 1248 : index
    %get3A_766 = tpu.vector_load %arg6[%get3A_765] {strides = array<i32>} : memref<2048xi32, #tpu.memory_space<vmem>>, vector<16xi32>,
    %lt3A_767 = arith.constant 19 : i32
    %lt3A_768 = arith.cmpi slt, %lt3A_767, %add3A : i32
    %convert_element_type3A_769 = arith.extui %lt3A_768 : i1 to i32
    %mul3A_770 = vector.broadcast %convert_element_type3A_769 : i32 to vector<16xi32>
    %mul3A_771 = arith.muli %get3A_766, %mul3A_770 : vector<16xi32>
    %add3A_772 = arith.addi %add3A_763, %mul3A_771 : vector<16xi32>
    %add3A_773 = arith.addi %add3A_764, %get3A_766 : vector<16xi32>
    %get3A_774 = arith.constant 1312 : index
    %get3A_775 = tpu.vector_load %arg6[%get3A_774] {strides = array<i32>} : memref<2048xi32, #tpu.memory_space<vmem>>, vector<16xi32>,
    %lt3A_776 = arith.constant 20 : i32
    %lt3A_777 = arith.cmpi slt, %lt3A_776, %add3A : i32
    %convert_element_type3A_778 = arith.extui %lt3A_777 : i1 to i32
    %mul3A_779 = vector.broadcast %convert_element_type3A_778 : i32 to vector<16xi32>
    %mul3A_780 = arith.muli %get3A_775, %mul3A_779 : vector<16xi32>
    %add3A_781 = arith.addi %add3A_772, %mul3A_780 : vector<16xi32>
    %add3A_782 = arith.addi %add3A_773, %get3A_775 : vector<16xi32>
    %get3A_783 = arith.constant 1376 : index
    %get3A_784 = tpu.vector_load %arg6[%get3A_783] {strides = array<i32>} : memref<2048xi32, #tpu.memory_space<vmem>>, vector<16xi32>,
    %lt3A_785 = arith.constant 21 : i32
    %lt3A_786 = arith.cmpi slt, %lt3A_785, %add3A : i32
    %convert_element_type3A_787 = arith.extui %lt3A_786 : i1 to i32
    %mul3A_788 = vector.broadcast %convert_element_type3A_787 : i32 to vector<16xi32>
    %mul3A_789 = arith.muli %get3A_784, %mul3A_788 : vector<16xi32>
    %add3A_790 = arith.addi %add3A_781, %mul3A_789 : vector<16xi32>
    %add3A_791 = arith.addi %add3A_782, %get3A_784 : vector<16xi32>
    %get3A_792 = arith.constant 1440 : index
    %get3A_793 = tpu.vector_load %arg6[%get3A_792] {strides = array<i32>} : memref<2048xi32, #tpu.memory_space<vmem>>, vector<16xi32>,
    %lt3A_794 = arith.constant 22 : i32
    %lt3A_795 = arith.cmpi slt, %lt3A_794, %add3A : i32
    %convert_element_type3A_796 = arith.extui %lt3A_795 : i1 to i32
    %mul3A_797 = vector.broadcast %convert_element_type3A_796 : i32 to vector<16xi32>
    %mul3A_798 = arith.muli %get3A_793, %mul3A_797 : vector<16xi32>
    %add3A_799 = arith.addi %add3A_790, %mul3A_798 : vector<16xi32>
    %add3A_800 = arith.addi %add3A_791, %get3A_793 : vector<16xi32>
    %get3A_801 = arith.constant 1504 : index
    %get3A_802 = tpu.vector_load %arg6[%get3A_801] {strides = array<i32>} : memref<2048xi32, #tpu.memory_space<vmem>>, vector<16xi32>,
    %lt3A_803 = arith.constant 23 : i32
    %lt3A_804 = arith.cmpi slt, %lt3A_803, %add3A : i32
    %convert_element_type3A_805 = arith.extui %lt3A_804 : i1 to i32
    %mul3A_806 = vector.broadcast %convert_element_type3A_805 : i32 to vector<16xi32>
    %mul3A_807 = arith.muli %get3A_802, %mul3A_806 : vector<16xi32>
    %add3A_808 = arith.addi %add3A_799, %mul3A_807 : vector<16xi32>
    %add3A_809 = arith.addi %add3A_800, %get3A_802 : vector<16xi32>
    %get3A_810 = arith.constant 1568 : index
    %get3A_811 = tpu.vector_load %arg6[%get3A_810] {strides = array<i32>} : memref<2048xi32, #tpu.memory_space<vmem>>, vector<16xi32>,
    %lt3A_812 = arith.constant 24 : i32
    %lt3A_813 = arith.cmpi slt, %lt3A_812, %add3A : i32
    %convert_element_type3A_814 = arith.extui %lt3A_813 : i1 to i32
    %mul3A_815 = vector.broadcast %convert_element_type3A_814 : i32 to vector<16xi32>
    %mul3A_816 = arith.muli %get3A_811, %mul3A_815 : vector<16xi32>
    %add3A_817 = arith.addi %add3A_808, %mul3A_816 : vector<16xi32>
    %add3A_818 = arith.addi %add3A_809, %get3A_811 : vector<16xi32>
    %get3A_819 = arith.constant 1632 : index
    %get3A_820 = tpu.vector_load %arg6[%get3A_819] {strides = array<i32>} : memref<2048xi32, #tpu.memory_space<vmem>>, vector<16xi32>,
    %lt3A_821 = arith.constant 25 : i32
    %lt3A_822 = arith.cmpi slt, %lt3A_821, %add3A : i32
    %convert_element_type3A_823 = arith.extui %lt3A_822 : i1 to i32
    %mul3A_824 = vector.broadcast %convert_element_type3A_823 : i32 to vector<16xi32>
    %mul3A_825 = arith.muli %get3A_820, %mul3A_824 : vector<16xi32>
    %add3A_826 = arith.addi %add3A_817, %mul3A_825 : vector<16xi32>
    %add3A_827 = arith.addi %add3A_818, %get3A_820 : vector<16xi32>
    %get3A_828 = arith.constant 1696 : index
    %get3A_829 = tpu.vector_load %arg6[%get3A_828] {strides = array<i32>} : memref<2048xi32, #tpu.memory_space<vmem>>, vector<16xi32>,
    %lt3A_830 = arith.constant 26 : i32
    %lt3A_831 = arith.cmpi slt, %lt3A_830, %add3A : i32
    %convert_element_type3A_832 = arith.extui %lt3A_831 : i1 to i32
    %mul3A_833 = vector.broadcast %convert_element_type3A_832 : i32 to vector<16xi32>
    %mul3A_834 = arith.muli %get3A_829, %mul3A_833 : vector<16xi32>
    %add3A_835 = arith.addi %add3A_826, %mul3A_834 : vector<16xi32>
    %add3A_836 = arith.addi %add3A_827, %get3A_829 : vector<16xi32>
    %get3A_837 = arith.constant 1760 : index
    %get3A_838 = tpu.vector_load %arg6[%get3A_837] {strides = array<i32>} : memref<2048xi32, #tpu.memory_space<vmem>>, vector<16xi32>,
    %lt3A_839 = arith.constant 27 : i32
    %lt3A_840 = arith.cmpi slt, %lt3A_839, %add3A : i32
    %convert_element_type3A_841 = arith.extui %lt3A_840 : i1 to i32
    %mul3A_842 = vector.broadcast %convert_element_type3A_841 : i32 to vector<16xi32>
    %mul3A_843 = arith.muli %get3A_838, %mul3A_842 : vector<16xi32>
    %add3A_844 = arith.addi %add3A_835, %mul3A_843 : vector<16xi32>
    %add3A_845 = arith.addi %add3A_836, %get3A_838 : vector<16xi32>
    %get3A_846 = arith.constant 1824 : index
    %get3A_847 = tpu.vector_load %arg6[%get3A_846] {strides = array<i32>} : memref<2048xi32, #tpu.memory_space<vmem>>, vector<16xi32>,
    %lt3A_848 = arith.constant 28 : i32
    %lt3A_849 = arith.cmpi slt, %lt3A_848, %add3A : i32
    %convert_element_type3A_850 = arith.extui %lt3A_849 : i1 to i32
    %mul3A_851 = vector.broadcast %convert_element_type3A_850 : i32 to vector<16xi32>
    %mul3A_852 = arith.muli %get3A_847, %mul3A_851 : vector<16xi32>
    %add3A_853 = arith.addi %add3A_844, %mul3A_852 : vector<16xi32>
    %add3A_854 = arith.addi %add3A_845, %get3A_847 : vector<16xi32>
    %get3A_855 = arith.constant 1888 : index
    %get3A_856 = tpu.vector_load %arg6[%get3A_855] {strides = array<i32>} : memref<2048xi32, #tpu.memory_space<vmem>>, vector<16xi32>,
    %lt3A_857 = arith.constant 29 : i32
    %lt3A_858 = arith.cmpi slt, %lt3A_857, %add3A : i32
    %convert_element_type3A_859 = arith.extui %lt3A_858 : i1 to i32
    %mul3A_860 = vector.broadcast %convert_element_type3A_859 : i32 to vector<16xi32>
    %mul3A_861 = arith.muli %get3A_856, %mul3A_860 : vector<16xi32>
    %add3A_862 = arith.addi %add3A_853, %mul3A_861 : vector<16xi32>
    %add3A_863 = arith.addi %add3A_854, %get3A_856 : vector<16xi32>
    %get3A_864 = arith.constant 1952 : index
    %get3A_865 = tpu.vector_load %arg6[%get3A_864] {strides = array<i32>} : memref<2048xi32, #tpu.memory_space<vmem>>, vector<16xi32>,
    %lt3A_866 = arith.constant 30 : i32
    %lt3A_867 = arith.cmpi slt, %lt3A_866, %add3A : i32
    %convert_element_type3A_868 = arith.extui %lt3A_867 : i1 to i32
    %mul3A_869 = vector.broadcast %convert_element_type3A_868 : i32 to vector<16xi32>
    %mul3A_870 = arith.muli %get3A_865, %mul3A_869 : vector<16xi32>
    %add3A_871 = arith.addi %add3A_862, %mul3A_870 : vector<16xi32>
    %add3A_872 = arith.addi %add3A_863, %get3A_865 : vector<16xi32>
    %get3A_873 = arith.constant 2016 : index
    %get3A_874 = tpu.vector_load %arg6[%get3A_873] {strides = array<i32>} : memref<2048xi32, #tpu.memory_space<vmem>>, vector<16xi32>,
    %lt3A_875 = arith.constant 31 : i32
    %lt3A_876 = arith.cmpi slt, %lt3A_875, %add3A : i32
    %convert_element_type3A_877 = arith.extui %lt3A_876 : i1 to i32
    %mul3A_878 = vector.broadcast %convert_element_type3A_877 : i32 to vector<16xi32>
    %mul3A_879 = arith.muli %get3A_874, %mul3A_878 : vector<16xi32>
    %add3A_880 = arith.addi %add3A_871, %mul3A_879 : vector<16xi32>
    %add3A_881 = arith.addi %add3A_872, %get3A_874 : vector<16xi32>
    %swap3A_882 = arith.constant 32 : index
    %swap3A_883 = tpu.vector_load %arg9[%swap3A_882] {strides = array<i32>} : memref<64xi32, #tpu.memory_space<vmem>>, vector<16xi32>,
    tpu.vector_store %arg9[%swap3A_882], %add3A_880 {strides = array<i32>} : memref<64xi32, #tpu.memory_space<vmem>>, vector<16xi32>,
    %swap3A_884 = arith.constant 32 : index
    %swap3A_885 = tpu.vector_load %arg10[%swap3A_884] {strides = array<i32>} : memref<64xi32, #tpu.memory_space<vmem>>, vector<16xi32>,
    tpu.vector_store %arg10[%swap3A_884], %add3A_881 {strides = array<i32>} : memref<64xi32, #tpu.memory_space<vmem>>, vector<16xi32>,
    %broadcast_in_dim3A_886 = arith.constant 0 : i32
    %broadcast_in_dim3A_887 = vector.broadcast %broadcast_in_dim3A_886 : i32 to vector<16xi32>
    %broadcast_in_dim3A_888 = arith.constant 0 : i32
    %broadcast_in_dim3A_889 = vector.broadcast %broadcast_in_dim3A_888 : i32 to vector<16xi32>
    %get3A_890 = arith.constant 48 : index
    %get3A_891 = tpu.vector_load %arg6[%get3A_890] {strides = array<i32>} : memref<2048xi32, #tpu.memory_space<vmem>>, vector<16xi32>,
    %lt3A_892 = arith.constant 0 : i32
    %lt3A_893 = arith.cmpi slt, %lt3A_892, %add3A : i32
    %convert_element_type3A_894 = arith.extui %lt3A_893 : i1 to i32
    %mul3A_895 = vector.broadcast %convert_element_type3A_894 : i32 to vector<16xi32>
    %mul3A_896 = arith.muli %get3A_891, %mul3A_895 : vector<16xi32>
    %add3A_897 = arith.addi %broadcast_in_dim3A_887, %mul3A_896 : vector<16xi32>
    %add3A_898 = arith.addi %broadcast_in_dim3A_889, %get3A_891 : vector<16xi32>
    %get3A_899 = arith.constant 112 : index
    %get3A_900 = tpu.vector_load %arg6[%get3A_899] {strides = array<i32>} : memref<2048xi32, #tpu.memory_space<vmem>>, vector<16xi32>,
    %lt3A_901 = arith.constant 1 : i32
    %lt3A_902 = arith.cmpi slt, %lt3A_901, %add3A : i32
    %convert_element_type3A_903 = arith.extui %lt3A_902 : i1 to i32
    %mul3A_904 = vector.broadcast %convert_element_type3A_903 : i32 to vector<16xi32>
    %mul3A_905 = arith.muli %get3A_900, %mul3A_904 : vector<16xi32>
    %add3A_906 = arith.addi %add3A_897, %mul3A_905 : vector<16xi32>
    %add3A_907 = arith.addi %add3A_898, %get3A_900 : vector<16xi32>
    %get3A_908 = arith.constant 176 : index
    %get3A_909 = tpu.vector_load %arg6[%get3A_908] {strides = array<i32>} : memref<2048xi32, #tpu.memory_space<vmem>>, vector<16xi32>,
    %lt3A_910 = arith.constant 2 : i32
    %lt3A_911 = arith.cmpi slt, %lt3A_910, %add3A : i32
    %convert_element_type3A_912 = arith.extui %lt3A_911 : i1 to i32
    %mul3A_913 = vector.broadcast %convert_element_type3A_912 : i32 to vector<16xi32>
    %mul3A_914 = arith.muli %get3A_909, %mul3A_913 : vector<16xi32>
    %add3A_915 = arith.addi %add3A_906, %mul3A_914 : vector<16xi32>
    %add3A_916 = arith.addi %add3A_907, %get3A_909 : vector<16xi32>
    %get3A_917 = arith.constant 240 : index
    %get3A_918 = tpu.vector_load %arg6[%get3A_917] {strides = array<i32>} : memref<2048xi32, #tpu.memory_space<vmem>>, vector<16xi32>,
    %lt3A_919 = arith.constant 3 : i32
    %lt3A_920 = arith.cmpi slt, %lt3A_919, %add3A : i32
    %convert_element_type3A_921 = arith.extui %lt3A_920 : i1 to i32
    %mul3A_922 = vector.broadcast %convert_element_type3A_921 : i32 to vector<16xi32>
    %mul3A_923 = arith.muli %get3A_918, %mul3A_922 : vector<16xi32>
    %add3A_924 = arith.addi %add3A_915, %mul3A_923 : vector<16xi32>
    %add3A_925 = arith.addi %add3A_916, %get3A_918 : vector<16xi32>
    %get3A_926 = arith.constant 304 : index
    %get3A_927 = tpu.vector_load %arg6[%get3A_926] {strides = array<i32>} : memref<2048xi32, #tpu.memory_space<vmem>>, vector<16xi32>,
    %lt3A_928 = arith.constant 4 : i32
    %lt3A_929 = arith.cmpi slt, %lt3A_928, %add3A : i32
    %convert_element_type3A_930 = arith.extui %lt3A_929 : i1 to i32
    %mul3A_931 = vector.broadcast %convert_element_type3A_930 : i32 to vector<16xi32>
    %mul3A_932 = arith.muli %get3A_927, %mul3A_931 : vector<16xi32>
    %add3A_933 = arith.addi %add3A_924, %mul3A_932 : vector<16xi32>
    %add3A_934 = arith.addi %add3A_925, %get3A_927 : vector<16xi32>
    %get3A_935 = arith.constant 368 : index
    %get3A_936 = tpu.vector_load %arg6[%get3A_935] {strides = array<i32>} : memref<2048xi32, #tpu.memory_space<vmem>>, vector<16xi32>,
    %lt3A_937 = arith.constant 5 : i32
    %lt3A_938 = arith.cmpi slt, %lt3A_937, %add3A : i32
    %convert_element_type3A_939 = arith.extui %lt3A_938 : i1 to i32
    %mul3A_940 = vector.broadcast %convert_element_type3A_939 : i32 to vector<16xi32>
    %mul3A_941 = arith.muli %get3A_936, %mul3A_940 : vector<16xi32>
    %add3A_942 = arith.addi %add3A_933, %mul3A_941 : vector<16xi32>
    %add3A_943 = arith.addi %add3A_934, %get3A_936 : vector<16xi32>
    %get3A_944 = arith.constant 432 : index
    %get3A_945 = tpu.vector_load %arg6[%get3A_944] {strides = array<i32>} : memref<2048xi32, #tpu.memory_space<vmem>>, vector<16xi32>,
    %lt3A_946 = arith.constant 6 : i32
    %lt3A_947 = arith.cmpi slt, %lt3A_946, %add3A : i32
    %convert_element_type3A_948 = arith.extui %lt3A_947 : i1 to i32
    %mul3A_949 = vector.broadcast %convert_element_type3A_948 : i32 to vector<16xi32>
    %mul3A_950 = arith.muli %get3A_945, %mul3A_949 : vector<16xi32>
    %add3A_951 = arith.addi %add3A_942, %mul3A_950 : vector<16xi32>
    %add3A_952 = arith.addi %add3A_943, %get3A_945 : vector<16xi32>
    %get3A_953 = arith.constant 496 : index
    %get3A_954 = tpu.vector_load %arg6[%get3A_953] {strides = array<i32>} : memref<2048xi32, #tpu.memory_space<vmem>>, vector<16xi32>,
    %lt3A_955 = arith.constant 7 : i32
    %lt3A_956 = arith.cmpi slt, %lt3A_955, %add3A : i32
    %convert_element_type3A_957 = arith.extui %lt3A_956 : i1 to i32
    %mul3A_958 = vector.broadcast %convert_element_type3A_957 : i32 to vector<16xi32>
    %mul3A_959 = arith.muli %get3A_954, %mul3A_958 : vector<16xi32>
    %add3A_960 = arith.addi %add3A_951, %mul3A_959 : vector<16xi32>
    %add3A_961 = arith.addi %add3A_952, %get3A_954 : vector<16xi32>
    %get3A_962 = arith.constant 560 : index
    %get3A_963 = tpu.vector_load %arg6[%get3A_962] {strides = array<i32>} : memref<2048xi32, #tpu.memory_space<vmem>>, vector<16xi32>,
    %lt3A_964 = arith.constant 8 : i32
    %lt3A_965 = arith.cmpi slt, %lt3A_964, %add3A : i32
    %convert_element_type3A_966 = arith.extui %lt3A_965 : i1 to i32
    %mul3A_967 = vector.broadcast %convert_element_type3A_966 : i32 to vector<16xi32>
    %mul3A_968 = arith.muli %get3A_963, %mul3A_967 : vector<16xi32>
    %add3A_969 = arith.addi %add3A_960, %mul3A_968 : vector<16xi32>
    %add3A_970 = arith.addi %add3A_961, %get3A_963 : vector<16xi32>
    %get3A_971 = arith.constant 624 : index
    %get3A_972 = tpu.vector_load %arg6[%get3A_971] {strides = array<i32>} : memref<2048xi32, #tpu.memory_space<vmem>>, vector<16xi32>,
    %lt3A_973 = arith.constant 9 : i32
    %lt3A_974 = arith.cmpi slt, %lt3A_973, %add3A : i32
    %convert_element_type3A_975 = arith.extui %lt3A_974 : i1 to i32
    %mul3A_976 = vector.broadcast %convert_element_type3A_975 : i32 to vector<16xi32>
    %mul3A_977 = arith.muli %get3A_972, %mul3A_976 : vector<16xi32>
    %add3A_978 = arith.addi %add3A_969, %mul3A_977 : vector<16xi32>
    %add3A_979 = arith.addi %add3A_970, %get3A_972 : vector<16xi32>
    %get3A_980 = arith.constant 688 : index
    %get3A_981 = tpu.vector_load %arg6[%get3A_980] {strides = array<i32>} : memref<2048xi32, #tpu.memory_space<vmem>>, vector<16xi32>,
    %lt3A_982 = arith.constant 10 : i32
    %lt3A_983 = arith.cmpi slt, %lt3A_982, %add3A : i32
    %convert_element_type3A_984 = arith.extui %lt3A_983 : i1 to i32
    %mul3A_985 = vector.broadcast %convert_element_type3A_984 : i32 to vector<16xi32>
    %mul3A_986 = arith.muli %get3A_981, %mul3A_985 : vector<16xi32>
    %add3A_987 = arith.addi %add3A_978, %mul3A_986 : vector<16xi32>
    %add3A_988 = arith.addi %add3A_979, %get3A_981 : vector<16xi32>
    %get3A_989 = arith.constant 752 : index
    %get3A_990 = tpu.vector_load %arg6[%get3A_989] {strides = array<i32>} : memref<2048xi32, #tpu.memory_space<vmem>>, vector<16xi32>,
    %lt3A_991 = arith.constant 11 : i32
    %lt3A_992 = arith.cmpi slt, %lt3A_991, %add3A : i32
    %convert_element_type3A_993 = arith.extui %lt3A_992 : i1 to i32
    %mul3A_994 = vector.broadcast %convert_element_type3A_993 : i32 to vector<16xi32>
    %mul3A_995 = arith.muli %get3A_990, %mul3A_994 : vector<16xi32>
    %add3A_996 = arith.addi %add3A_987, %mul3A_995 : vector<16xi32>
    %add3A_997 = arith.addi %add3A_988, %get3A_990 : vector<16xi32>
    %get3A_998 = arith.constant 816 : index
    %get3A_999 = tpu.vector_load %arg6[%get3A_998] {strides = array<i32>} : memref<2048xi32, #tpu.memory_space<vmem>>, vector<16xi32>,
    %lt3A_1000 = arith.constant 12 : i32
    %lt3A_1001 = arith.cmpi slt, %lt3A_1000, %add3A : i32
    %convert_element_type3A_1002 = arith.extui %lt3A_1001 : i1 to i32
    %mul3A_1003 = vector.broadcast %convert_element_type3A_1002 : i32 to vector<16xi32>
    %mul3A_1004 = arith.muli %get3A_999, %mul3A_1003 : vector<16xi32>
    %add3A_1005 = arith.addi %add3A_996, %mul3A_1004 : vector<16xi32>
    %add3A_1006 = arith.addi %add3A_997, %get3A_999 : vector<16xi32>
    %get3A_1007 = arith.constant 880 : index
    %get3A_1008 = tpu.vector_load %arg6[%get3A_1007] {strides = array<i32>} : memref<2048xi32, #tpu.memory_space<vmem>>, vector<16xi32>,
    %lt3A_1009 = arith.constant 13 : i32
    %lt3A_1010 = arith.cmpi slt, %lt3A_1009, %add3A : i32
    %convert_element_type3A_1011 = arith.extui %lt3A_1010 : i1 to i32
    %mul3A_1012 = vector.broadcast %convert_element_type3A_1011 : i32 to vector<16xi32>
    %mul3A_1013 = arith.muli %get3A_1008, %mul3A_1012 : vector<16xi32>
    %add3A_1014 = arith.addi %add3A_1005, %mul3A_1013 : vector<16xi32>
    %add3A_1015 = arith.addi %add3A_1006, %get3A_1008 : vector<16xi32>
    %get3A_1016 = arith.constant 944 : index
    %get3A_1017 = tpu.vector_load %arg6[%get3A_1016] {strides = array<i32>} : memref<2048xi32, #tpu.memory_space<vmem>>, vector<16xi32>,
    %lt3A_1018 = arith.constant 14 : i32
    %lt3A_1019 = arith.cmpi slt, %lt3A_1018, %add3A : i32
    %convert_element_type3A_1020 = arith.extui %lt3A_1019 : i1 to i32
    %mul3A_1021 = vector.broadcast %convert_element_type3A_1020 : i32 to vector<16xi32>
    %mul3A_1022 = arith.muli %get3A_1017, %mul3A_1021 : vector<16xi32>
    %add3A_1023 = arith.addi %add3A_1014, %mul3A_1022 : vector<16xi32>
    %add3A_1024 = arith.addi %add3A_1015, %get3A_1017 : vector<16xi32>
    %get3A_1025 = arith.constant 1008 : index
    %get3A_1026 = tpu.vector_load %arg6[%get3A_1025] {strides = array<i32>} : memref<2048xi32, #tpu.memory_space<vmem>>, vector<16xi32>,
    %lt3A_1027 = arith.constant 15 : i32
    %lt3A_1028 = arith.cmpi slt, %lt3A_1027, %add3A : i32
    %convert_element_type3A_1029 = arith.extui %lt3A_1028 : i1 to i32
    %mul3A_1030 = vector.broadcast %convert_element_type3A_1029 : i32 to vector<16xi32>
    %mul3A_1031 = arith.muli %get3A_1026, %mul3A_1030 : vector<16xi32>
    %add3A_1032 = arith.addi %add3A_1023, %mul3A_1031 : vector<16xi32>
    %add3A_1033 = arith.addi %add3A_1024, %get3A_1026 : vector<16xi32>
    %get3A_1034 = arith.constant 1072 : index
    %get3A_1035 = tpu.vector_load %arg6[%get3A_1034] {strides = array<i32>} : memref<2048xi32, #tpu.memory_space<vmem>>, vector<16xi32>,
    %lt3A_1036 = arith.constant 16 : i32
    %lt3A_1037 = arith.cmpi slt, %lt3A_1036, %add3A : i32
    %convert_element_type3A_1038 = arith.extui %lt3A_1037 : i1 to i32
    %mul3A_1039 = vector.broadcast %convert_element_type3A_1038 : i32 to vector<16xi32>
    %mul3A_1040 = arith.muli %get3A_1035, %mul3A_1039 : vector<16xi32>
    %add3A_1041 = arith.addi %add3A_1032, %mul3A_1040 : vector<16xi32>
    %add3A_1042 = arith.addi %add3A_1033, %get3A_1035 : vector<16xi32>
    %get3A_1043 = arith.constant 1136 : index
    %get3A_1044 = tpu.vector_load %arg6[%get3A_1043] {strides = array<i32>} : memref<2048xi32, #tpu.memory_space<vmem>>, vector<16xi32>,
    %lt3A_1045 = arith.constant 17 : i32
    %lt3A_1046 = arith.cmpi slt, %lt3A_1045, %add3A : i32
    %convert_element_type3A_1047 = arith.extui %lt3A_1046 : i1 to i32
    %mul3A_1048 = vector.broadcast %convert_element_type3A_1047 : i32 to vector<16xi32>
    %mul3A_1049 = arith.muli %get3A_1044, %mul3A_1048 : vector<16xi32>
    %add3A_1050 = arith.addi %add3A_1041, %mul3A_1049 : vector<16xi32>
    %add3A_1051 = arith.addi %add3A_1042, %get3A_1044 : vector<16xi32>
    %get3A_1052 = arith.constant 1200 : index
    %get3A_1053 = tpu.vector_load %arg6[%get3A_1052] {strides = array<i32>} : memref<2048xi32, #tpu.memory_space<vmem>>, vector<16xi32>,
    %lt3A_1054 = arith.constant 18 : i32
    %lt3A_1055 = arith.cmpi slt, %lt3A_1054, %add3A : i32
    %convert_element_type3A_1056 = arith.extui %lt3A_1055 : i1 to i32
    %mul3A_1057 = vector.broadcast %convert_element_type3A_1056 : i32 to vector<16xi32>
    %mul3A_1058 = arith.muli %get3A_1053, %mul3A_1057 : vector<16xi32>
    %add3A_1059 = arith.addi %add3A_1050, %mul3A_1058 : vector<16xi32>
    %add3A_1060 = arith.addi %add3A_1051, %get3A_1053 : vector<16xi32>
    %get3A_1061 = arith.constant 1264 : index
    %get3A_1062 = tpu.vector_load %arg6[%get3A_1061] {strides = array<i32>} : memref<2048xi32, #tpu.memory_space<vmem>>, vector<16xi32>,
    %lt3A_1063 = arith.constant 19 : i32
    %lt3A_1064 = arith.cmpi slt, %lt3A_1063, %add3A : i32
    %convert_element_type3A_1065 = arith.extui %lt3A_1064 : i1 to i32
    %mul3A_1066 = vector.broadcast %convert_element_type3A_1065 : i32 to vector<16xi32>
    %mul3A_1067 = arith.muli %get3A_1062, %mul3A_1066 : vector<16xi32>
    %add3A_1068 = arith.addi %add3A_1059, %mul3A_1067 : vector<16xi32>
    %add3A_1069 = arith.addi %add3A_1060, %get3A_1062 : vector<16xi32>
    %get3A_1070 = arith.constant 1328 : index
    %get3A_1071 = tpu.vector_load %arg6[%get3A_1070] {strides = array<i32>} : memref<2048xi32, #tpu.memory_space<vmem>>, vector<16xi32>,
    %lt3A_1072 = arith.constant 20 : i32
    %lt3A_1073 = arith.cmpi slt, %lt3A_1072, %add3A : i32
    %convert_element_type3A_1074 = arith.extui %lt3A_1073 : i1 to i32
    %mul3A_1075 = vector.broadcast %convert_element_type3A_1074 : i32 to vector<16xi32>
    %mul3A_1076 = arith.muli %get3A_1071, %mul3A_1075 : vector<16xi32>
    %add3A_1077 = arith.addi %add3A_1068, %mul3A_1076 : vector<16xi32>
    %add3A_1078 = arith.addi %add3A_1069, %get3A_1071 : vector<16xi32>
    %get3A_1079 = arith.constant 1392 : index
    %get3A_1080 = tpu.vector_load %arg6[%get3A_1079] {strides = array<i32>} : memref<2048xi32, #tpu.memory_space<vmem>>, vector<16xi32>,
    %lt3A_1081 = arith.constant 21 : i32
    %lt3A_1082 = arith.cmpi slt, %lt3A_1081, %add3A : i32
    %convert_element_type3A_1083 = arith.extui %lt3A_1082 : i1 to i32
    %mul3A_1084 = vector.broadcast %convert_element_type3A_1083 : i32 to vector<16xi32>
    %mul3A_1085 = arith.muli %get3A_1080, %mul3A_1084 : vector<16xi32>
    %add3A_1086 = arith.addi %add3A_1077, %mul3A_1085 : vector<16xi32>
    %add3A_1087 = arith.addi %add3A_1078, %get3A_1080 : vector<16xi32>
    %get3A_1088 = arith.constant 1456 : index
    %get3A_1089 = tpu.vector_load %arg6[%get3A_1088] {strides = array<i32>} : memref<2048xi32, #tpu.memory_space<vmem>>, vector<16xi32>,
    %lt3A_1090 = arith.constant 22 : i32
    %lt3A_1091 = arith.cmpi slt, %lt3A_1090, %add3A : i32
    %convert_element_type3A_1092 = arith.extui %lt3A_1091 : i1 to i32
    %mul3A_1093 = vector.broadcast %convert_element_type3A_1092 : i32 to vector<16xi32>
    %mul3A_1094 = arith.muli %get3A_1089, %mul3A_1093 : vector<16xi32>
    %add3A_1095 = arith.addi %add3A_1086, %mul3A_1094 : vector<16xi32>
    %add3A_1096 = arith.addi %add3A_1087, %get3A_1089 : vector<16xi32>
    %get3A_1097 = arith.constant 1520 : index
    %get3A_1098 = tpu.vector_load %arg6[%get3A_1097] {strides = array<i32>} : memref<2048xi32, #tpu.memory_space<vmem>>, vector<16xi32>,
    %lt3A_1099 = arith.constant 23 : i32
    %lt3A_1100 = arith.cmpi slt, %lt3A_1099, %add3A : i32
    %convert_element_type3A_1101 = arith.extui %lt3A_1100 : i1 to i32
    %mul3A_1102 = vector.broadcast %convert_element_type3A_1101 : i32 to vector<16xi32>
    %mul3A_1103 = arith.muli %get3A_1098, %mul3A_1102 : vector<16xi32>
    %add3A_1104 = arith.addi %add3A_1095, %mul3A_1103 : vector<16xi32>
    %add3A_1105 = arith.addi %add3A_1096, %get3A_1098 : vector<16xi32>
    %get3A_1106 = arith.constant 1584 : index
    %get3A_1107 = tpu.vector_load %arg6[%get3A_1106] {strides = array<i32>} : memref<2048xi32, #tpu.memory_space<vmem>>, vector<16xi32>,
    %lt3A_1108 = arith.constant 24 : i32
    %lt3A_1109 = arith.cmpi slt, %lt3A_1108, %add3A : i32
    %convert_element_type3A_1110 = arith.extui %lt3A_1109 : i1 to i32
    %mul3A_1111 = vector.broadcast %convert_element_type3A_1110 : i32 to vector<16xi32>
    %mul3A_1112 = arith.muli %get3A_1107, %mul3A_1111 : vector<16xi32>
    %add3A_1113 = arith.addi %add3A_1104, %mul3A_1112 : vector<16xi32>
    %add3A_1114 = arith.addi %add3A_1105, %get3A_1107 : vector<16xi32>
    %get3A_1115 = arith.constant 1648 : index
    %get3A_1116 = tpu.vector_load %arg6[%get3A_1115] {strides = array<i32>} : memref<2048xi32, #tpu.memory_space<vmem>>, vector<16xi32>,
    %lt3A_1117 = arith.constant 25 : i32
    %lt3A_1118 = arith.cmpi slt, %lt3A_1117, %add3A : i32
    %convert_element_type3A_1119 = arith.extui %lt3A_1118 : i1 to i32
    %mul3A_1120 = vector.broadcast %convert_element_type3A_1119 : i32 to vector<16xi32>
    %mul3A_1121 = arith.muli %get3A_1116, %mul3A_1120 : vector<16xi32>
    %add3A_1122 = arith.addi %add3A_1113, %mul3A_1121 : vector<16xi32>
    %add3A_1123 = arith.addi %add3A_1114, %get3A_1116 : vector<16xi32>
    %get3A_1124 = arith.constant 1712 : index
    %get3A_1125 = tpu.vector_load %arg6[%get3A_1124] {strides = array<i32>} : memref<2048xi32, #tpu.memory_space<vmem>>, vector<16xi32>,
    %lt3A_1126 = arith.constant 26 : i32
    %lt3A_1127 = arith.cmpi slt, %lt3A_1126, %add3A : i32
    %convert_element_type3A_1128 = arith.extui %lt3A_1127 : i1 to i32
    %mul3A_1129 = vector.broadcast %convert_element_type3A_1128 : i32 to vector<16xi32>
    %mul3A_1130 = arith.muli %get3A_1125, %mul3A_1129 : vector<16xi32>
    %add3A_1131 = arith.addi %add3A_1122, %mul3A_1130 : vector<16xi32>
    %add3A_1132 = arith.addi %add3A_1123, %get3A_1125 : vector<16xi32>
    %get3A_1133 = arith.constant 1776 : index
    %get3A_1134 = tpu.vector_load %arg6[%get3A_1133] {strides = array<i32>} : memref<2048xi32, #tpu.memory_space<vmem>>, vector<16xi32>,
    %lt3A_1135 = arith.constant 27 : i32
    %lt3A_1136 = arith.cmpi slt, %lt3A_1135, %add3A : i32
    %convert_element_type3A_1137 = arith.extui %lt3A_1136 : i1 to i32
    %mul3A_1138 = vector.broadcast %convert_element_type3A_1137 : i32 to vector<16xi32>
    %mul3A_1139 = arith.muli %get3A_1134, %mul3A_1138 : vector<16xi32>
    %add3A_1140 = arith.addi %add3A_1131, %mul3A_1139 : vector<16xi32>
    %add3A_1141 = arith.addi %add3A_1132, %get3A_1134 : vector<16xi32>
    %get3A_1142 = arith.constant 1840 : index
    %get3A_1143 = tpu.vector_load %arg6[%get3A_1142] {strides = array<i32>} : memref<2048xi32, #tpu.memory_space<vmem>>, vector<16xi32>,
    %lt3A_1144 = arith.constant 28 : i32
    %lt3A_1145 = arith.cmpi slt, %lt3A_1144, %add3A : i32
    %convert_element_type3A_1146 = arith.extui %lt3A_1145 : i1 to i32
    %mul3A_1147 = vector.broadcast %convert_element_type3A_1146 : i32 to vector<16xi32>
    %mul3A_1148 = arith.muli %get3A_1143, %mul3A_1147 : vector<16xi32>
    %add3A_1149 = arith.addi %add3A_1140, %mul3A_1148 : vector<16xi32>
    %add3A_1150 = arith.addi %add3A_1141, %get3A_1143 : vector<16xi32>
    %get3A_1151 = arith.constant 1904 : index
    %get3A_1152 = tpu.vector_load %arg6[%get3A_1151] {strides = array<i32>} : memref<2048xi32, #tpu.memory_space<vmem>>, vector<16xi32>,
    %lt3A_1153 = arith.constant 29 : i32
    %lt3A_1154 = arith.cmpi slt, %lt3A_1153, %add3A : i32
    %convert_element_type3A_1155 = arith.extui %lt3A_1154 : i1 to i32
    %mul3A_1156 = vector.broadcast %convert_element_type3A_1155 : i32 to vector<16xi32>
    %mul3A_1157 = arith.muli %get3A_1152, %mul3A_1156 : vector<16xi32>
    %add3A_1158 = arith.addi %add3A_1149, %mul3A_1157 : vector<16xi32>
    %add3A_1159 = arith.addi %add3A_1150, %get3A_1152 : vector<16xi32>
    %get3A_1160 = arith.constant 1968 : index
    %get3A_1161 = tpu.vector_load %arg6[%get3A_1160] {strides = array<i32>} : memref<2048xi32, #tpu.memory_space<vmem>>, vector<16xi32>,
    %lt3A_1162 = arith.constant 30 : i32
    %lt3A_1163 = arith.cmpi slt, %lt3A_1162, %add3A : i32
    %convert_element_type3A_1164 = arith.extui %lt3A_1163 : i1 to i32
    %mul3A_1165 = vector.broadcast %convert_element_type3A_1164 : i32 to vector<16xi32>
    %mul3A_1166 = arith.muli %get3A_1161, %mul3A_1165 : vector<16xi32>
    %add3A_1167 = arith.addi %add3A_1158, %mul3A_1166 : vector<16xi32>
    %add3A_1168 = arith.addi %add3A_1159, %get3A_1161 : vector<16xi32>
    %get3A_1169 = arith.constant 2032 : index
    %get3A_1170 = tpu.vector_load %arg6[%get3A_1169] {strides = array<i32>} : memref<2048xi32, #tpu.memory_space<vmem>>, vector<16xi32>,
    %lt3A_1171 = arith.constant 31 : i32
    %lt3A_1172 = arith.cmpi slt, %lt3A_1171, %add3A : i32
    %convert_element_type3A_1173 = arith.extui %lt3A_1172 : i1 to i32
    %mul3A_1174 = vector.broadcast %convert_element_type3A_1173 : i32 to vector<16xi32>
    %mul3A_1175 = arith.muli %get3A_1170, %mul3A_1174 : vector<16xi32>
    %add3A_1176 = arith.addi %add3A_1167, %mul3A_1175 : vector<16xi32>
    %add3A_1177 = arith.addi %add3A_1168, %get3A_1170 : vector<16xi32>
    %swap3A_1178 = arith.constant 48 : index
    %swap3A_1179 = tpu.vector_load %arg9[%swap3A_1178] {strides = array<i32>} : memref<64xi32, #tpu.memory_space<vmem>>, vector<16xi32>,
    tpu.vector_store %arg9[%swap3A_1178], %add3A_1176 {strides = array<i32>} : memref<64xi32, #tpu.memory_space<vmem>>, vector<16xi32>,
    %swap3A_1180 = arith.constant 48 : index
    %swap3A_1181 = tpu.vector_load %arg10[%swap3A_1180] {strides = array<i32>} : memref<64xi32, #tpu.memory_space<vmem>>, vector<16xi32>,
    tpu.vector_store %arg10[%swap3A_1180], %add3A_1177 {strides = array<i32>} : memref<64xi32, #tpu.memory_space<vmem>>, vector<16xi32>,
    %iota3A = tpu.iota {dimensions = array<i32: 0>} : vector<16xi32>
    %broadcast_in_dim3A_1182 = arith.constant 1 : i32
    %broadcast_in_dim3A_1183 = vector.broadcast %broadcast_in_dim3A_1182 : i32 to vector<16xi32>
    %shift_right_arithmetic3A = arith.constant 3 : i32
    %shift_right_arithmetic3A_1184 = vector.broadcast %shift_right_arithmetic3A : i32 to vector<16xi32>
    %shift_right_arithmetic3A_1185 = arith.shrsi %iota3A, %shift_right_arithmetic3A_1184 : vector<16xi32>
    %eq3A = arith.constant 0 : i32
    %eq3A_1186 = vector.broadcast %eq3A : i32 to vector<16xi32>
    %eq3A_1187 = arith.cmpi eq, %shift_right_arithmetic3A_1185, %eq3A_1186 : vector<16xi32>
    %eq3A_1188 = arith.constant 1 : i32
    %eq3A_1189 = vector.broadcast %eq3A_1188 : i32 to vector<16xi32>
    %eq3A_1190 = arith.cmpi eq, %shift_right_arithmetic3A_1185, %eq3A_1189 : vector<16xi32>
    %and3A = arith.constant 7 : i32
    %and3A_1191 = vector.broadcast %and3A : i32 to vector<16xi32>
    %and3A_1192 = arith.andi %iota3A, %and3A_1191 : vector<16xi32>
    %mul3A_1193 = arith.constant 128 : i32
    %mul3A_1194 = vector.broadcast %mul3A_1193 : i32 to vector<16xi32>
    %mul3A_1195 = arith.muli %and3A_1192, %mul3A_1194 : vector<16xi32>
    %scan3A = arith.constant 0 : i32
    %scan3A_1196 = arith.constant 0 : i32
    %scan3A_1197 = arith.constant 256 : i32
    %scan3A_1198 = arith.addi %scan3A_1196, %scan3A_1197 : i32
    %scan3A_1199 = arith.constant 1 : i32
    scf.for %scan3A_1207 = %scan3A_1196 to %scan3A_1198 step %scan3A_1199  : i32 {
      %mul3A_1208 = arith.constant 2 : i32
      %mul3A_1209 = arith.muli %scan3A_1207, %mul3A_1208 : i32
      %add3A_1210 = vector.broadcast %mul3A_1209 : i32 to vector<16xi32>
      %add3A_1211 = arith.addi %add3A_1210, %shift_right_arithmetic3A_1185 : vector<16xi32>
      %shift_right_arithmetic3A_1212 = arith.constant 7 : i32
      %shift_right_arithmetic3A_1213 = vector.broadcast %shift_right_arithmetic3A_1212 : i32 to vector<16xi32>
      %shift_right_arithmetic3A_1214 = arith.shrsi %add3A_1211, %shift_right_arithmetic3A_1213 : vector<16xi32>
      %shift_left3A = arith.constant 10 : i32
      %shift_left3A_1215 = vector.broadcast %shift_left3A : i32 to vector<16xi32>
      %shift_left3A_1216 = arith.shli %shift_right_arithmetic3A_1214, %shift_left3A_1215 : vector<16xi32>
      %and3A_1217 = arith.constant 127 : i32
      %and3A_1218 = vector.broadcast %and3A_1217 : i32 to vector<16xi32>
      %and3A_1219 = arith.andi %add3A_1211, %and3A_1218 : vector<16xi32>
      %add3A_1220 = arith.addi %shift_left3A_1216, %and3A_1219 : vector<16xi32>
      %add3A_1221 = arith.addi %add3A_1220, %mul3A_1195 : vector<16xi32>
      %gather3A = tpu.vector_load_idx %arg7[%add3A_1221] : memref<4096xi32, #tpu.memory_space<vmem>>[vector<16xi32>], vector<16xi32>,
      %gather3A_1222 = tpu.vector_load_idx %arg9[%gather3A] : memref<64xi32, #tpu.memory_space<vmem>>[vector<16xi32>], vector<16xi32>,
      %broadcast_in_dim3A_1223 = arith.constant 0 : i32
      %broadcast_in_dim3A_1224 = vector.broadcast %broadcast_in_dim3A_1223 : i32 to vector<16xi32>
      %broadcast_in_dim3A_1225 = arith.constant 0 : i32
      %broadcast_in_dim3A_1226 = vector.broadcast %broadcast_in_dim3A_1225 : i32 to vector<16x1xi32>
      %gather3A_1227 = vector.shape_cast %broadcast_in_dim3A_1226 : vector<16x1xi32> to vector<16xi32>
      %gather3A_1228 = tpu.dynamic_gather %gather3A[%gather3A_1227] in [0] : vector<16xi32>, vector<16xi32> -> vector<16xi32>
      %eq3A_1229 = arith.cmpi eq, %gather3A, %gather3A_1228 : vector<16xi32>
      %convert_element_type3A_1230 = arith.extui %eq3A_1229 : vector<16xi1> to vector<16xi32>
      %add3A_1231 = arith.addi %broadcast_in_dim3A_1224, %convert_element_type3A_1230 : vector<16xi32>
      %broadcast_in_dim3A_1232 = arith.constant 1 : i32
      %broadcast_in_dim3A_1233 = vector.broadcast %broadcast_in_dim3A_1232 : i32 to vector<16x1xi32>
      %gather3A_1234 = vector.shape_cast %broadcast_in_dim3A_1233 : vector<16x1xi32> to vector<16xi32>
      %gather3A_1235 = tpu.dynamic_gather %gather3A[%gather3A_1234] in [0] : vector<16xi32>, vector<16xi32> -> vector<16xi32>
      %eq3A_1236 = arith.cmpi eq, %gather3A, %gather3A_1235 : vector<16xi32>
      %convert_element_type3A_1237 = arith.extui %eq3A_1236 : vector<16xi1> to vector<16xi32>
      %add3A_1238 = arith.addi %add3A_1231, %convert_element_type3A_1237 : vector<16xi32>
      %broadcast_in_dim3A_1239 = arith.constant 2 : i32
      %broadcast_in_dim3A_1240 = vector.broadcast %broadcast_in_dim3A_1239 : i32 to vector<16x1xi32>
      %gather3A_1241 = vector.shape_cast %broadcast_in_dim3A_1240 : vector<16x1xi32> to vector<16xi32>
      %gather3A_1242 = tpu.dynamic_gather %gather3A[%gather3A_1241] in [0] : vector<16xi32>, vector<16xi32> -> vector<16xi32>
      %eq3A_1243 = arith.cmpi eq, %gather3A, %gather3A_1242 : vector<16xi32>
      %convert_element_type3A_1244 = arith.extui %eq3A_1243 : vector<16xi1> to vector<16xi32>
      %add3A_1245 = arith.addi %add3A_1238, %convert_element_type3A_1244 : vector<16xi32>
      %broadcast_in_dim3A_1246 = arith.constant 3 : i32
      %broadcast_in_dim3A_1247 = vector.broadcast %broadcast_in_dim3A_1246 : i32 to vector<16x1xi32>
      %gather3A_1248 = vector.shape_cast %broadcast_in_dim3A_1247 : vector<16x1xi32> to vector<16xi32>
      %gather3A_1249 = tpu.dynamic_gather %gather3A[%gather3A_1248] in [0] : vector<16xi32>, vector<16xi32> -> vector<16xi32>
      %eq3A_1250 = arith.cmpi eq, %gather3A, %gather3A_1249 : vector<16xi32>
      %convert_element_type3A_1251 = arith.extui %eq3A_1250 : vector<16xi1> to vector<16xi32>
      %add3A_1252 = arith.addi %add3A_1245, %convert_element_type3A_1251 : vector<16xi32>
      %broadcast_in_dim3A_1253 = arith.constant 4 : i32
      %broadcast_in_dim3A_1254 = vector.broadcast %broadcast_in_dim3A_1253 : i32 to vector<16x1xi32>
      %gather3A_1255 = vector.shape_cast %broadcast_in_dim3A_1254 : vector<16x1xi32> to vector<16xi32>
      %gather3A_1256 = tpu.dynamic_gather %gather3A[%gather3A_1255] in [0] : vector<16xi32>, vector<16xi32> -> vector<16xi32>
      %eq3A_1257 = arith.cmpi eq, %gather3A, %gather3A_1256 : vector<16xi32>
      %convert_element_type3A_1258 = arith.extui %eq3A_1257 : vector<16xi1> to vector<16xi32>
      %add3A_1259 = arith.addi %add3A_1252, %convert_element_type3A_1258 : vector<16xi32>
      %broadcast_in_dim3A_1260 = arith.constant 5 : i32
      %broadcast_in_dim3A_1261 = vector.broadcast %broadcast_in_dim3A_1260 : i32 to vector<16x1xi32>
      %gather3A_1262 = vector.shape_cast %broadcast_in_dim3A_1261 : vector<16x1xi32> to vector<16xi32>
      %gather3A_1263 = tpu.dynamic_gather %gather3A[%gather3A_1262] in [0] : vector<16xi32>, vector<16xi32> -> vector<16xi32>
      %eq3A_1264 = arith.cmpi eq, %gather3A, %gather3A_1263 : vector<16xi32>
      %convert_element_type3A_1265 = arith.extui %eq3A_1264 : vector<16xi1> to vector<16xi32>
      %add3A_1266 = arith.addi %add3A_1259, %convert_element_type3A_1265 : vector<16xi32>
      %broadcast_in_dim3A_1267 = arith.constant 6 : i32
      %broadcast_in_dim3A_1268 = vector.broadcast %broadcast_in_dim3A_1267 : i32 to vector<16x1xi32>
      %gather3A_1269 = vector.shape_cast %broadcast_in_dim3A_1268 : vector<16x1xi32> to vector<16xi32>
      %gather3A_1270 = tpu.dynamic_gather %gather3A[%gather3A_1269] in [0] : vector<16xi32>, vector<16xi32> -> vector<16xi32>
      %eq3A_1271 = arith.cmpi eq, %gather3A, %gather3A_1270 : vector<16xi32>
      %convert_element_type3A_1272 = arith.extui %eq3A_1271 : vector<16xi1> to vector<16xi32>
      %add3A_1273 = arith.addi %add3A_1266, %convert_element_type3A_1272 : vector<16xi32>
      %broadcast_in_dim3A_1274 = arith.constant 7 : i32
      %broadcast_in_dim3A_1275 = vector.broadcast %broadcast_in_dim3A_1274 : i32 to vector<16x1xi32>
      %gather3A_1276 = vector.shape_cast %broadcast_in_dim3A_1275 : vector<16x1xi32> to vector<16xi32>
      %gather3A_1277 = tpu.dynamic_gather %gather3A[%gather3A_1276] in [0] : vector<16xi32>, vector<16xi32> -> vector<16xi32>
      %eq3A_1278 = arith.cmpi eq, %gather3A, %gather3A_1277 : vector<16xi32>
      %convert_element_type3A_1279 = arith.extui %eq3A_1278 : vector<16xi1> to vector<16xi32>
      %add3A_1280 = arith.addi %add3A_1273, %convert_element_type3A_1279 : vector<16xi32>
      %jit3A = arith.constant 0 : i32
      %broadcast_in_dim3A_1281 = vector.broadcast %jit3A : i32 to vector<16xi32>
      %select_n3A = arith.select %eq3A_1190, %add3A_1280, %broadcast_in_dim3A_1281 : vector<16xi1>, vector<16xi32>
      %add3A_1282 = arith.addi %gather3A_1222, %select_n3A : vector<16xi32>
      tpu.vector_store_idx %arg8[%add3A_1221], %add3A_1282 : memref<4096xi32, #tpu.memory_space<vmem>>[vector<16xi32>], vector<16xi32>,
      tpu.vector_store_idx %arg9[%gather3A], %broadcast_in_dim3A_1183 masked %eq3A_1187 {add = true} : memref<64xi32, #tpu.memory_space<vmem>>[vector<16xi32>], vector<16xi32>, vector<16xi1>
      tpu.vector_store_idx %arg9[%gather3A], %broadcast_in_dim3A_1183 masked %eq3A_1190 {add = true} : memref<64xi32, #tpu.memory_space<vmem>>[vector<16xi32>], vector<16xi32>, vector<16xi1>
    }
    %scan3A_1200 = arith.constant 256 : i32
    %mul3A_1201 = arith.constant 4096 : i32
    %mul3A_1202 = arith.muli %add3A, %mul3A_1201 : i32
    "tpu.region"() ({
      %run_scoped3A = tpu.sem_alloc : memref<!tpu.dma_semaphore, #tpu.memory_space<semaphore_mem>>
      %dma_start3A = tpu.memref_slice %arg5[%mul3A_1202] : memref<131072xi32, #tpu.memory_space<hbm>> -> memref<4096xi32, #tpu.memory_space<hbm>>
      %dma_start3A_1207 = tpu.memref_slice %arg5[%mul3A_1202] : memref<131072xi32, #tpu.memory_space<hbm>> -> memref<4096xi32, #tpu.memory_space<hbm>>
      tpu.enqueue_dma source(%arg8 : memref<4096xi32, #tpu.memory_space<vmem>>) target(%dma_start3A_1207 : memref<4096xi32, #tpu.memory_space<hbm>>) target_semaphore(%run_scoped3A : memref<!tpu.dma_semaphore, #tpu.memory_space<semaphore_mem>>)
      %dma_wait3A = tpu.memref_slice %arg5[%mul3A_1202] : memref<131072xi32, #tpu.memory_space<hbm>> -> memref<4096xi32, #tpu.memory_space<hbm>>
      %dma_wait3A_1208 = tpu.memref_slice %arg5[%mul3A_1202] : memref<131072xi32, #tpu.memory_space<hbm>> -> memref<4096xi32, #tpu.memory_space<hbm>>
      tpu.wait_dma2 semaphore(%run_scoped3A : memref<!tpu.dma_semaphore, #tpu.memory_space<semaphore_mem>>) src(%arg8 : memref<4096xi32, #tpu.memory_space<vmem>>) dst(%dma_wait3A_1208 : memref<4096xi32, #tpu.memory_space<hbm>>)
      tpu.yield
    }) : () -> ()
    %eq3A_1203 = arith.constant 0 : i32
    %eq3A_1204 = arith.cmpi eq, %add3A, %eq3A_1203 : i32
    %convert_element_type3A_1205 = arith.extui %eq3A_1204 : i1 to i32
    %cond3A = arith.constant 0 : i32
    %cond3A_1206 = arith.cmpi ne, %convert_element_type3A_1205, %cond3A : i32
    scf.if %cond3A_1206 {
      "tpu.region"() ({
        %run_scoped3A = tpu.sem_alloc : memref<!tpu.dma_semaphore, #tpu.memory_space<semaphore_mem>>
        tpu.enqueue_dma source(%arg10 : memref<64xi32, #tpu.memory_space<vmem>>) target(%arg4 : memref<64xi32, #tpu.memory_space<hbm>>) target_semaphore(%run_scoped3A : memref<!tpu.dma_semaphore, #tpu.memory_space<semaphore_mem>>)
        tpu.wait_dma2 semaphore(%run_scoped3A : memref<!tpu.dma_semaphore, #tpu.memory_space<semaphore_mem>>) src(%arg10 : memref<64xi32, #tpu.memory_space<vmem>>) dst(%arg4 : memref<64xi32, #tpu.memory_space<hbm>>)
        tpu.yield
      }) : () -> ()
    } else {
    }
    return
  }
}

module attributes {stable_mosaic.version = 14 : i64} {
  func.func @_tc_body(%arg0: i32, %arg1: memref<64x2048xf32, #tpu.memory_space<vmem>>, %arg2: memref<64x2048xf32, #tpu.memory_space<vmem>>, %arg3: memref<8x2048xf32, #tpu.memory_space<vmem>>, %arg4: memref<8x2048xi32, #tpu.memory_space<vmem>>, %arg5: memref<1x64x4xi32, #tpu.memory_space<vmem>>) attributes {dimension_semantics = [#tpu.dimension_semantics<arbitrary>], iteration_bounds = array<i64: 8>, scalar_prefetch = 0 : i64, scratch_operands = 0 : i64, tpu.core_type = #tpu.core_type<tc>, window_params = [{transform_indices = @transform_0, window_bounds = array<i64: 64, 2048>}, {transform_indices = @transform_1, window_bounds = array<i64: 64, 2048>}, {transform_indices = @transform_2, window_bounds = array<i64: 8, 2048>}, {transform_indices = @transform_3, window_bounds = array<i64: 8, 2048>}, {transform_indices = @transform_4, window_bounds = array<i64: 1, 64, 4>}]} {
    %get3A = arith.constant 0 : index
    %get3A_0 = arith.constant 0 : index
    %get3A_1 = vector.load %arg1[%get3A, %get3A_0] : memref<64x2048xf32, #tpu.memory_space<vmem>>, vector<64x2048xf32>
    %reduce_max3A = arith.constant dense<0xFF800000> : vector<2048xf32>
    %reduce_max3A_2 = vector.multi_reduction <maximumf>, %get3A_1, %reduce_max3A [0] : vector<64x2048xf32> to vector<2048xf32>
    %broadcast_in_dim3A = vector.shape_cast %reduce_max3A_2 : vector<2048xf32> to vector<1x2048xf32>
    %sub3A = vector.broadcast %broadcast_in_dim3A : vector<1x2048xf32> to vector<64x2048xf32>
    %sub3A_3 = arith.subf %get3A_1, %sub3A : vector<64x2048xf32>
    %exp3A = math.exp %sub3A_3 : vector<64x2048xf32>
    %reduce_sum3A = arith.constant dense<0.000000e+00> : vector<2048xf32>
    %reduce_sum3A_4 = vector.multi_reduction <add>, %exp3A, %reduce_sum3A [0] : vector<64x2048xf32> to vector<2048xf32>
    %broadcast_in_dim3A_5 = vector.shape_cast %reduce_sum3A_4 : vector<2048xf32> to vector<1x2048xf32>
    %div3A = vector.broadcast %broadcast_in_dim3A_5 : vector<1x2048xf32> to vector<64x2048xf32>
    %div3A_6 = arith.divf %exp3A, %div3A : vector<64x2048xf32>
    %swap3A = arith.constant 0 : index
    %swap3A_7 = arith.constant 0 : index
    %swap3A_8 = vector.load %arg2[%swap3A, %swap3A_7] : memref<64x2048xf32, #tpu.memory_space<vmem>>, vector<64x2048xf32>
    tpu.vector_store %arg2[%swap3A, %swap3A_7], %div3A_6 {strides = array<i32>} : memref<64x2048xf32, #tpu.memory_space<vmem>>, vector<64x2048xf32>,
    %iota3A = tpu.iota {dimensions = array<i32: 0>} : vector<64x2048xi32>
    %sub3A_9 = arith.constant 63 : i32
    %sub3A_10 = vector.broadcast %sub3A_9 : i32 to vector<64x2048xi32>
    %sub3A_11 = arith.subi %sub3A_10, %iota3A : vector<64x2048xi32>
    %convert_element_type3A = arith.sitofp %sub3A_11 : vector<64x2048xi32> to vector<64x2048xf32>
    %reduce_max3A_12 = arith.constant dense<0xFF800000> : vector<2048xf32>
    %reduce_max3A_13 = vector.multi_reduction <maximumf>, %div3A_6, %reduce_max3A_12 [0] : vector<64x2048xf32> to vector<2048xf32>
    %broadcast_in_dim3A_14 = vector.shape_cast %reduce_max3A_13 : vector<2048xf32> to vector<1x2048xf32>
    %eq3A = vector.broadcast %broadcast_in_dim3A_14 : vector<1x2048xf32> to vector<64x2048xf32>
    %eq3A_15 = arith.cmpf oeq, %div3A_6, %eq3A : vector<64x2048xf32>
    %jit3A = arith.constant -1.000000e+00 : f32
    %broadcast_in_dim3A_16 = vector.broadcast %jit3A : f32 to vector<64x2048xf32>
    %select_n3A = arith.select %eq3A_15, %convert_element_type3A, %broadcast_in_dim3A_16 : vector<64x2048xi1>, vector<64x2048xf32>
    %reduce_max3A_17 = arith.constant dense<0xFF800000> : vector<2048xf32>
    %reduce_max3A_18 = vector.multi_reduction <maximumf>, %select_n3A, %reduce_max3A_17 [0] : vector<64x2048xf32> to vector<2048xf32>
    %broadcast_in_dim3A_19 = vector.shape_cast %reduce_max3A_18 : vector<2048xf32> to vector<1x2048xf32>
    %eq3A_20 = vector.broadcast %broadcast_in_dim3A_19 : vector<1x2048xf32> to vector<64x2048xf32>
    %eq3A_21 = arith.cmpf oeq, %select_n3A, %eq3A_20 : vector<64x2048xf32>
    %jit3A_22 = arith.constant -1.000000e+00 : f32
    %broadcast_in_dim3A_23 = vector.broadcast %jit3A_22 : f32 to vector<64x2048xf32>
    %select_n3A_24 = arith.select %eq3A_21, %broadcast_in_dim3A_23, %div3A_6 : vector<64x2048xi1>, vector<64x2048xf32>
    %sub3A_25 = arith.constant 6.300000e+01 : f32
    %sub3A_26 = vector.broadcast %sub3A_25 : f32 to vector<1x2048xf32>
    %sub3A_27 = arith.subf %sub3A_26, %broadcast_in_dim3A_19 : vector<1x2048xf32>
    %convert_element_type3A_28 = arith.fptosi %sub3A_27 : vector<1x2048xf32> to vector<1x2048xi32>
    %swap3A_29 = arith.constant 0 : index
    %swap3A_30 = arith.constant 0 : index
    %swap3A_31 = vector.load %arg3[%swap3A_29, %swap3A_30] : memref<8x2048xf32, #tpu.memory_space<vmem>>, vector<1x2048xf32>
    tpu.vector_store %arg3[%swap3A_29, %swap3A_30], %broadcast_in_dim3A_14 {strides = array<i32>} : memref<8x2048xf32, #tpu.memory_space<vmem>>, vector<1x2048xf32>,
    %swap3A_32 = arith.constant 0 : index
    %swap3A_33 = arith.constant 0 : index
    %swap3A_34 = vector.load %arg4[%swap3A_32, %swap3A_33] : memref<8x2048xi32, #tpu.memory_space<vmem>>, vector<1x2048xi32>
    tpu.vector_store %arg4[%swap3A_32, %swap3A_33], %convert_element_type3A_28 {strides = array<i32>} : memref<8x2048xi32, #tpu.memory_space<vmem>>, vector<1x2048xi32>,
    %reduce_max3A_35 = arith.constant dense<0xFF800000> : vector<2048xf32>
    %reduce_max3A_36 = vector.multi_reduction <maximumf>, %select_n3A_24, %reduce_max3A_35 [0] : vector<64x2048xf32> to vector<2048xf32>
    %broadcast_in_dim3A_37 = vector.shape_cast %reduce_max3A_36 : vector<2048xf32> to vector<1x2048xf32>
    %eq3A_38 = vector.broadcast %broadcast_in_dim3A_37 : vector<1x2048xf32> to vector<64x2048xf32>
    %eq3A_39 = arith.cmpf oeq, %select_n3A_24, %eq3A_38 : vector<64x2048xf32>
    %jit3A_40 = arith.constant -1.000000e+00 : f32
    %broadcast_in_dim3A_41 = vector.broadcast %jit3A_40 : f32 to vector<64x2048xf32>
    %select_n3A_42 = arith.select %eq3A_39, %convert_element_type3A, %broadcast_in_dim3A_41 : vector<64x2048xi1>, vector<64x2048xf32>
    %reduce_max3A_43 = arith.constant dense<0xFF800000> : vector<2048xf32>
    %reduce_max3A_44 = vector.multi_reduction <maximumf>, %select_n3A_42, %reduce_max3A_43 [0] : vector<64x2048xf32> to vector<2048xf32>
    %broadcast_in_dim3A_45 = vector.shape_cast %reduce_max3A_44 : vector<2048xf32> to vector<1x2048xf32>
    %eq3A_46 = vector.broadcast %broadcast_in_dim3A_45 : vector<1x2048xf32> to vector<64x2048xf32>
    %eq3A_47 = arith.cmpf oeq, %select_n3A_42, %eq3A_46 : vector<64x2048xf32>
    %jit3A_48 = arith.constant -1.000000e+00 : f32
    %broadcast_in_dim3A_49 = vector.broadcast %jit3A_48 : f32 to vector<64x2048xf32>
    %select_n3A_50 = arith.select %eq3A_47, %broadcast_in_dim3A_49, %select_n3A_24 : vector<64x2048xi1>, vector<64x2048xf32>
    %sub3A_51 = arith.constant 6.300000e+01 : f32
    %sub3A_52 = vector.broadcast %sub3A_51 : f32 to vector<1x2048xf32>
    %sub3A_53 = arith.subf %sub3A_52, %broadcast_in_dim3A_45 : vector<1x2048xf32>
    %convert_element_type3A_54 = arith.fptosi %sub3A_53 : vector<1x2048xf32> to vector<1x2048xi32>
    %swap3A_55 = arith.constant 1 : index
    %swap3A_56 = arith.constant 0 : index
    %swap3A_57 = vector.load %arg3[%swap3A_55, %swap3A_56] : memref<8x2048xf32, #tpu.memory_space<vmem>>, vector<1x2048xf32>
    tpu.vector_store %arg3[%swap3A_55, %swap3A_56], %broadcast_in_dim3A_37 {strides = array<i32>} : memref<8x2048xf32, #tpu.memory_space<vmem>>, vector<1x2048xf32>,
    %swap3A_58 = arith.constant 1 : index
    %swap3A_59 = arith.constant 0 : index
    %swap3A_60 = vector.load %arg4[%swap3A_58, %swap3A_59] : memref<8x2048xi32, #tpu.memory_space<vmem>>, vector<1x2048xi32>
    tpu.vector_store %arg4[%swap3A_58, %swap3A_59], %convert_element_type3A_54 {strides = array<i32>} : memref<8x2048xi32, #tpu.memory_space<vmem>>, vector<1x2048xi32>,
    %reduce_max3A_61 = arith.constant dense<0xFF800000> : vector<2048xf32>
    %reduce_max3A_62 = vector.multi_reduction <maximumf>, %select_n3A_50, %reduce_max3A_61 [0] : vector<64x2048xf32> to vector<2048xf32>
    %broadcast_in_dim3A_63 = vector.shape_cast %reduce_max3A_62 : vector<2048xf32> to vector<1x2048xf32>
    %eq3A_64 = vector.broadcast %broadcast_in_dim3A_63 : vector<1x2048xf32> to vector<64x2048xf32>
    %eq3A_65 = arith.cmpf oeq, %select_n3A_50, %eq3A_64 : vector<64x2048xf32>
    %jit3A_66 = arith.constant -1.000000e+00 : f32
    %broadcast_in_dim3A_67 = vector.broadcast %jit3A_66 : f32 to vector<64x2048xf32>
    %select_n3A_68 = arith.select %eq3A_65, %convert_element_type3A, %broadcast_in_dim3A_67 : vector<64x2048xi1>, vector<64x2048xf32>
    %reduce_max3A_69 = arith.constant dense<0xFF800000> : vector<2048xf32>
    %reduce_max3A_70 = vector.multi_reduction <maximumf>, %select_n3A_68, %reduce_max3A_69 [0] : vector<64x2048xf32> to vector<2048xf32>
    %broadcast_in_dim3A_71 = vector.shape_cast %reduce_max3A_70 : vector<2048xf32> to vector<1x2048xf32>
    %eq3A_72 = vector.broadcast %broadcast_in_dim3A_71 : vector<1x2048xf32> to vector<64x2048xf32>
    %eq3A_73 = arith.cmpf oeq, %select_n3A_68, %eq3A_72 : vector<64x2048xf32>
    %jit3A_74 = arith.constant -1.000000e+00 : f32
    %broadcast_in_dim3A_75 = vector.broadcast %jit3A_74 : f32 to vector<64x2048xf32>
    %select_n3A_76 = arith.select %eq3A_73, %broadcast_in_dim3A_75, %select_n3A_50 : vector<64x2048xi1>, vector<64x2048xf32>
    %sub3A_77 = arith.constant 6.300000e+01 : f32
    %sub3A_78 = vector.broadcast %sub3A_77 : f32 to vector<1x2048xf32>
    %sub3A_79 = arith.subf %sub3A_78, %broadcast_in_dim3A_71 : vector<1x2048xf32>
    %convert_element_type3A_80 = arith.fptosi %sub3A_79 : vector<1x2048xf32> to vector<1x2048xi32>
    %swap3A_81 = arith.constant 2 : index
    %swap3A_82 = arith.constant 0 : index
    %swap3A_83 = vector.load %arg3[%swap3A_81, %swap3A_82] : memref<8x2048xf32, #tpu.memory_space<vmem>>, vector<1x2048xf32>
    tpu.vector_store %arg3[%swap3A_81, %swap3A_82], %broadcast_in_dim3A_63 {strides = array<i32>} : memref<8x2048xf32, #tpu.memory_space<vmem>>, vector<1x2048xf32>,
    %swap3A_84 = arith.constant 2 : index
    %swap3A_85 = arith.constant 0 : index
    %swap3A_86 = vector.load %arg4[%swap3A_84, %swap3A_85] : memref<8x2048xi32, #tpu.memory_space<vmem>>, vector<1x2048xi32>
    tpu.vector_store %arg4[%swap3A_84, %swap3A_85], %convert_element_type3A_80 {strides = array<i32>} : memref<8x2048xi32, #tpu.memory_space<vmem>>, vector<1x2048xi32>,
    %reduce_max3A_87 = arith.constant dense<0xFF800000> : vector<2048xf32>
    %reduce_max3A_88 = vector.multi_reduction <maximumf>, %select_n3A_76, %reduce_max3A_87 [0] : vector<64x2048xf32> to vector<2048xf32>
    %broadcast_in_dim3A_89 = vector.shape_cast %reduce_max3A_88 : vector<2048xf32> to vector<1x2048xf32>
    %eq3A_90 = vector.broadcast %broadcast_in_dim3A_89 : vector<1x2048xf32> to vector<64x2048xf32>
    %eq3A_91 = arith.cmpf oeq, %select_n3A_76, %eq3A_90 : vector<64x2048xf32>
    %jit3A_92 = arith.constant -1.000000e+00 : f32
    %broadcast_in_dim3A_93 = vector.broadcast %jit3A_92 : f32 to vector<64x2048xf32>
    %select_n3A_94 = arith.select %eq3A_91, %convert_element_type3A, %broadcast_in_dim3A_93 : vector<64x2048xi1>, vector<64x2048xf32>
    %reduce_max3A_95 = arith.constant dense<0xFF800000> : vector<2048xf32>
    %reduce_max3A_96 = vector.multi_reduction <maximumf>, %select_n3A_94, %reduce_max3A_95 [0] : vector<64x2048xf32> to vector<2048xf32>
    %broadcast_in_dim3A_97 = vector.shape_cast %reduce_max3A_96 : vector<2048xf32> to vector<1x2048xf32>
    %eq3A_98 = vector.broadcast %broadcast_in_dim3A_97 : vector<1x2048xf32> to vector<64x2048xf32>
    %eq3A_99 = arith.cmpf oeq, %select_n3A_94, %eq3A_98 : vector<64x2048xf32>
    %jit3A_100 = arith.constant -1.000000e+00 : f32
    %broadcast_in_dim3A_101 = vector.broadcast %jit3A_100 : f32 to vector<64x2048xf32>
    %select_n3A_102 = arith.select %eq3A_99, %broadcast_in_dim3A_101, %select_n3A_76 : vector<64x2048xi1>, vector<64x2048xf32>
    %sub3A_103 = arith.constant 6.300000e+01 : f32
    %sub3A_104 = vector.broadcast %sub3A_103 : f32 to vector<1x2048xf32>
    %sub3A_105 = arith.subf %sub3A_104, %broadcast_in_dim3A_97 : vector<1x2048xf32>
    %convert_element_type3A_106 = arith.fptosi %sub3A_105 : vector<1x2048xf32> to vector<1x2048xi32>
    %swap3A_107 = arith.constant 3 : index
    %swap3A_108 = arith.constant 0 : index
    %swap3A_109 = vector.load %arg3[%swap3A_107, %swap3A_108] : memref<8x2048xf32, #tpu.memory_space<vmem>>, vector<1x2048xf32>
    tpu.vector_store %arg3[%swap3A_107, %swap3A_108], %broadcast_in_dim3A_89 {strides = array<i32>} : memref<8x2048xf32, #tpu.memory_space<vmem>>, vector<1x2048xf32>,
    %swap3A_110 = arith.constant 3 : index
    %swap3A_111 = arith.constant 0 : index
    %swap3A_112 = vector.load %arg4[%swap3A_110, %swap3A_111] : memref<8x2048xi32, #tpu.memory_space<vmem>>, vector<1x2048xi32>
    tpu.vector_store %arg4[%swap3A_110, %swap3A_111], %convert_element_type3A_106 {strides = array<i32>} : memref<8x2048xi32, #tpu.memory_space<vmem>>, vector<1x2048xi32>,
    %reduce_max3A_113 = arith.constant dense<0xFF800000> : vector<2048xf32>
    %reduce_max3A_114 = vector.multi_reduction <maximumf>, %select_n3A_102, %reduce_max3A_113 [0] : vector<64x2048xf32> to vector<2048xf32>
    %broadcast_in_dim3A_115 = vector.shape_cast %reduce_max3A_114 : vector<2048xf32> to vector<1x2048xf32>
    %eq3A_116 = vector.broadcast %broadcast_in_dim3A_115 : vector<1x2048xf32> to vector<64x2048xf32>
    %eq3A_117 = arith.cmpf oeq, %select_n3A_102, %eq3A_116 : vector<64x2048xf32>
    %jit3A_118 = arith.constant -1.000000e+00 : f32
    %broadcast_in_dim3A_119 = vector.broadcast %jit3A_118 : f32 to vector<64x2048xf32>
    %select_n3A_120 = arith.select %eq3A_117, %convert_element_type3A, %broadcast_in_dim3A_119 : vector<64x2048xi1>, vector<64x2048xf32>
    %reduce_max3A_121 = arith.constant dense<0xFF800000> : vector<2048xf32>
    %reduce_max3A_122 = vector.multi_reduction <maximumf>, %select_n3A_120, %reduce_max3A_121 [0] : vector<64x2048xf32> to vector<2048xf32>
    %broadcast_in_dim3A_123 = vector.shape_cast %reduce_max3A_122 : vector<2048xf32> to vector<1x2048xf32>
    %eq3A_124 = vector.broadcast %broadcast_in_dim3A_123 : vector<1x2048xf32> to vector<64x2048xf32>
    %eq3A_125 = arith.cmpf oeq, %select_n3A_120, %eq3A_124 : vector<64x2048xf32>
    %jit3A_126 = arith.constant -1.000000e+00 : f32
    %broadcast_in_dim3A_127 = vector.broadcast %jit3A_126 : f32 to vector<64x2048xf32>
    %select_n3A_128 = arith.select %eq3A_125, %broadcast_in_dim3A_127, %select_n3A_102 : vector<64x2048xi1>, vector<64x2048xf32>
    %sub3A_129 = arith.constant 6.300000e+01 : f32
    %sub3A_130 = vector.broadcast %sub3A_129 : f32 to vector<1x2048xf32>
    %sub3A_131 = arith.subf %sub3A_130, %broadcast_in_dim3A_123 : vector<1x2048xf32>
    %convert_element_type3A_132 = arith.fptosi %sub3A_131 : vector<1x2048xf32> to vector<1x2048xi32>
    %swap3A_133 = arith.constant 4 : index
    %swap3A_134 = arith.constant 0 : index
    %swap3A_135 = vector.load %arg3[%swap3A_133, %swap3A_134] : memref<8x2048xf32, #tpu.memory_space<vmem>>, vector<1x2048xf32>
    tpu.vector_store %arg3[%swap3A_133, %swap3A_134], %broadcast_in_dim3A_115 {strides = array<i32>} : memref<8x2048xf32, #tpu.memory_space<vmem>>, vector<1x2048xf32>,
    %swap3A_136 = arith.constant 4 : index
    %swap3A_137 = arith.constant 0 : index
    %swap3A_138 = vector.load %arg4[%swap3A_136, %swap3A_137] : memref<8x2048xi32, #tpu.memory_space<vmem>>, vector<1x2048xi32>
    tpu.vector_store %arg4[%swap3A_136, %swap3A_137], %convert_element_type3A_132 {strides = array<i32>} : memref<8x2048xi32, #tpu.memory_space<vmem>>, vector<1x2048xi32>,
    %reduce_max3A_139 = arith.constant dense<0xFF800000> : vector<2048xf32>
    %reduce_max3A_140 = vector.multi_reduction <maximumf>, %select_n3A_128, %reduce_max3A_139 [0] : vector<64x2048xf32> to vector<2048xf32>
    %broadcast_in_dim3A_141 = vector.shape_cast %reduce_max3A_140 : vector<2048xf32> to vector<1x2048xf32>
    %eq3A_142 = vector.broadcast %broadcast_in_dim3A_141 : vector<1x2048xf32> to vector<64x2048xf32>
    %eq3A_143 = arith.cmpf oeq, %select_n3A_128, %eq3A_142 : vector<64x2048xf32>
    %jit3A_144 = arith.constant -1.000000e+00 : f32
    %broadcast_in_dim3A_145 = vector.broadcast %jit3A_144 : f32 to vector<64x2048xf32>
    %select_n3A_146 = arith.select %eq3A_143, %convert_element_type3A, %broadcast_in_dim3A_145 : vector<64x2048xi1>, vector<64x2048xf32>
    %reduce_max3A_147 = arith.constant dense<0xFF800000> : vector<2048xf32>
    %reduce_max3A_148 = vector.multi_reduction <maximumf>, %select_n3A_146, %reduce_max3A_147 [0] : vector<64x2048xf32> to vector<2048xf32>
    %broadcast_in_dim3A_149 = vector.shape_cast %reduce_max3A_148 : vector<2048xf32> to vector<1x2048xf32>
    %eq3A_150 = vector.broadcast %broadcast_in_dim3A_149 : vector<1x2048xf32> to vector<64x2048xf32>
    %eq3A_151 = arith.cmpf oeq, %select_n3A_146, %eq3A_150 : vector<64x2048xf32>
    %jit3A_152 = arith.constant -1.000000e+00 : f32
    %broadcast_in_dim3A_153 = vector.broadcast %jit3A_152 : f32 to vector<64x2048xf32>
    %select_n3A_154 = arith.select %eq3A_151, %broadcast_in_dim3A_153, %select_n3A_128 : vector<64x2048xi1>, vector<64x2048xf32>
    %sub3A_155 = arith.constant 6.300000e+01 : f32
    %sub3A_156 = vector.broadcast %sub3A_155 : f32 to vector<1x2048xf32>
    %sub3A_157 = arith.subf %sub3A_156, %broadcast_in_dim3A_149 : vector<1x2048xf32>
    %convert_element_type3A_158 = arith.fptosi %sub3A_157 : vector<1x2048xf32> to vector<1x2048xi32>
    %swap3A_159 = arith.constant 5 : index
    %swap3A_160 = arith.constant 0 : index
    %swap3A_161 = vector.load %arg3[%swap3A_159, %swap3A_160] : memref<8x2048xf32, #tpu.memory_space<vmem>>, vector<1x2048xf32>
    tpu.vector_store %arg3[%swap3A_159, %swap3A_160], %broadcast_in_dim3A_141 {strides = array<i32>} : memref<8x2048xf32, #tpu.memory_space<vmem>>, vector<1x2048xf32>,
    %swap3A_162 = arith.constant 5 : index
    %swap3A_163 = arith.constant 0 : index
    %swap3A_164 = vector.load %arg4[%swap3A_162, %swap3A_163] : memref<8x2048xi32, #tpu.memory_space<vmem>>, vector<1x2048xi32>
    tpu.vector_store %arg4[%swap3A_162, %swap3A_163], %convert_element_type3A_158 {strides = array<i32>} : memref<8x2048xi32, #tpu.memory_space<vmem>>, vector<1x2048xi32>,
    %reduce_max3A_165 = arith.constant dense<0xFF800000> : vector<2048xf32>
    %reduce_max3A_166 = vector.multi_reduction <maximumf>, %select_n3A_154, %reduce_max3A_165 [0] : vector<64x2048xf32> to vector<2048xf32>
    %broadcast_in_dim3A_167 = vector.shape_cast %reduce_max3A_166 : vector<2048xf32> to vector<1x2048xf32>
    %eq3A_168 = vector.broadcast %broadcast_in_dim3A_167 : vector<1x2048xf32> to vector<64x2048xf32>
    %eq3A_169 = arith.cmpf oeq, %select_n3A_154, %eq3A_168 : vector<64x2048xf32>
    %jit3A_170 = arith.constant -1.000000e+00 : f32
    %broadcast_in_dim3A_171 = vector.broadcast %jit3A_170 : f32 to vector<64x2048xf32>
    %select_n3A_172 = arith.select %eq3A_169, %convert_element_type3A, %broadcast_in_dim3A_171 : vector<64x2048xi1>, vector<64x2048xf32>
    %reduce_max3A_173 = arith.constant dense<0xFF800000> : vector<2048xf32>
    %reduce_max3A_174 = vector.multi_reduction <maximumf>, %select_n3A_172, %reduce_max3A_173 [0] : vector<64x2048xf32> to vector<2048xf32>
    %broadcast_in_dim3A_175 = vector.shape_cast %reduce_max3A_174 : vector<2048xf32> to vector<1x2048xf32>
    %eq3A_176 = vector.broadcast %broadcast_in_dim3A_175 : vector<1x2048xf32> to vector<64x2048xf32>
    %eq3A_177 = arith.cmpf oeq, %select_n3A_172, %eq3A_176 : vector<64x2048xf32>
    %jit3A_178 = arith.constant -1.000000e+00 : f32
    %broadcast_in_dim3A_179 = vector.broadcast %jit3A_178 : f32 to vector<64x2048xf32>
    %select_n3A_180 = arith.select %eq3A_177, %broadcast_in_dim3A_179, %select_n3A_154 : vector<64x2048xi1>, vector<64x2048xf32>
    %sub3A_181 = arith.constant 6.300000e+01 : f32
    %sub3A_182 = vector.broadcast %sub3A_181 : f32 to vector<1x2048xf32>
    %sub3A_183 = arith.subf %sub3A_182, %broadcast_in_dim3A_175 : vector<1x2048xf32>
    %convert_element_type3A_184 = arith.fptosi %sub3A_183 : vector<1x2048xf32> to vector<1x2048xi32>
    %swap3A_185 = arith.constant 6 : index
    %swap3A_186 = arith.constant 0 : index
    %swap3A_187 = vector.load %arg3[%swap3A_185, %swap3A_186] : memref<8x2048xf32, #tpu.memory_space<vmem>>, vector<1x2048xf32>
    tpu.vector_store %arg3[%swap3A_185, %swap3A_186], %broadcast_in_dim3A_167 {strides = array<i32>} : memref<8x2048xf32, #tpu.memory_space<vmem>>, vector<1x2048xf32>,
    %swap3A_188 = arith.constant 6 : index
    %swap3A_189 = arith.constant 0 : index
    %swap3A_190 = vector.load %arg4[%swap3A_188, %swap3A_189] : memref<8x2048xi32, #tpu.memory_space<vmem>>, vector<1x2048xi32>
    tpu.vector_store %arg4[%swap3A_188, %swap3A_189], %convert_element_type3A_184 {strides = array<i32>} : memref<8x2048xi32, #tpu.memory_space<vmem>>, vector<1x2048xi32>,
    %reduce_max3A_191 = arith.constant dense<0xFF800000> : vector<2048xf32>
    %reduce_max3A_192 = vector.multi_reduction <maximumf>, %select_n3A_180, %reduce_max3A_191 [0] : vector<64x2048xf32> to vector<2048xf32>
    %broadcast_in_dim3A_193 = vector.shape_cast %reduce_max3A_192 : vector<2048xf32> to vector<1x2048xf32>
    %eq3A_194 = vector.broadcast %broadcast_in_dim3A_193 : vector<1x2048xf32> to vector<64x2048xf32>
    %eq3A_195 = arith.cmpf oeq, %select_n3A_180, %eq3A_194 : vector<64x2048xf32>
    %jit3A_196 = arith.constant -1.000000e+00 : f32
    %broadcast_in_dim3A_197 = vector.broadcast %jit3A_196 : f32 to vector<64x2048xf32>
    %select_n3A_198 = arith.select %eq3A_195, %convert_element_type3A, %broadcast_in_dim3A_197 : vector<64x2048xi1>, vector<64x2048xf32>
    %reduce_max3A_199 = arith.constant dense<0xFF800000> : vector<2048xf32>
    %reduce_max3A_200 = vector.multi_reduction <maximumf>, %select_n3A_198, %reduce_max3A_199 [0] : vector<64x2048xf32> to vector<2048xf32>
    %broadcast_in_dim3A_201 = vector.shape_cast %reduce_max3A_200 : vector<2048xf32> to vector<1x2048xf32>
    %eq3A_202 = vector.broadcast %broadcast_in_dim3A_201 : vector<1x2048xf32> to vector<64x2048xf32>
    %eq3A_203 = arith.cmpf oeq, %select_n3A_198, %eq3A_202 : vector<64x2048xf32>
    %jit3A_204 = arith.constant -1.000000e+00 : f32
    %broadcast_in_dim3A_205 = vector.broadcast %jit3A_204 : f32 to vector<64x2048xf32>
    %select_n3A_206 = arith.select %eq3A_203, %broadcast_in_dim3A_205, %select_n3A_180 : vector<64x2048xi1>, vector<64x2048xf32>
    %sub3A_207 = arith.constant 6.300000e+01 : f32
    %sub3A_208 = vector.broadcast %sub3A_207 : f32 to vector<1x2048xf32>
    %sub3A_209 = arith.subf %sub3A_208, %broadcast_in_dim3A_201 : vector<1x2048xf32>
    %convert_element_type3A_210 = arith.fptosi %sub3A_209 : vector<1x2048xf32> to vector<1x2048xi32>
    %swap3A_211 = arith.constant 7 : index
    %swap3A_212 = arith.constant 0 : index
    %swap3A_213 = vector.load %arg3[%swap3A_211, %swap3A_212] : memref<8x2048xf32, #tpu.memory_space<vmem>>, vector<1x2048xf32>
    tpu.vector_store %arg3[%swap3A_211, %swap3A_212], %broadcast_in_dim3A_193 {strides = array<i32>} : memref<8x2048xf32, #tpu.memory_space<vmem>>, vector<1x2048xf32>,
    %swap3A_214 = arith.constant 7 : index
    %swap3A_215 = arith.constant 0 : index
    %swap3A_216 = vector.load %arg4[%swap3A_214, %swap3A_215] : memref<8x2048xi32, #tpu.memory_space<vmem>>, vector<1x2048xi32>
    tpu.vector_store %arg4[%swap3A_214, %swap3A_215], %convert_element_type3A_210 {strides = array<i32>} : memref<8x2048xi32, #tpu.memory_space<vmem>>, vector<1x2048xi32>,
    %lt3A = arith.constant 0.000000e+00 : f32
    %lt3A_217 = vector.broadcast %lt3A : f32 to vector<64x2048xf32>
    %lt3A_218 = arith.cmpf olt, %select_n3A_206, %lt3A_217 : vector<64x2048xf32>
    %convert_element_type3A_219 = arith.extui %lt3A_218 : vector<64x2048xi1> to vector<64x2048xi32>
    %slice3A = vector.extract_strided_slice %convert_element_type3A_219 {offsets = [0, 0], sizes = [64, 512], strides = [1, 1]} : vector<64x2048xi32> to vector<64x512xi32>
    %reduce_sum3A_220 = arith.constant dense<0> : vector<64xi32>
    %reduce_sum3A_221 = vector.multi_reduction <add>, %slice3A, %reduce_sum3A_220 [1] : vector<64x512xi32> to vector<64xi32>
    %broadcast_in_dim3A_222 = vector.shape_cast %reduce_sum3A_221 : vector<64xi32> to vector<64x1xi32>
    %swap3A_223 = arith.constant 0 : index
    %swap3A_224 = arith.constant 0 : index
    %swap3A_225 = arith.constant 0 : index
    %swap3A_226 = vector.load %arg5[%swap3A_223, %swap3A_224, %swap3A_225] : memref<1x64x4xi32, #tpu.memory_space<vmem>>, vector<1x64x1xi32>
    %swap3A_227 = vector.shape_cast %swap3A_226 : vector<1x64x1xi32> to vector<64x1xi32>
    %swap3A_228 = vector.shape_cast %broadcast_in_dim3A_222 : vector<64x1xi32> to vector<1x64x1xi32>
    tpu.vector_store %arg5[%swap3A_223, %swap3A_224, %swap3A_225], %swap3A_228 {strides = array<i32>} : memref<1x64x4xi32, #tpu.memory_space<vmem>>, vector<1x64x1xi32>,
    %slice3A_229 = vector.extract_strided_slice %convert_element_type3A_219 {offsets = [0, 512], sizes = [64, 512], strides = [1, 1]} : vector<64x2048xi32> to vector<64x512xi32>
    %reduce_sum3A_230 = arith.constant dense<0> : vector<64xi32>
    %reduce_sum3A_231 = vector.multi_reduction <add>, %slice3A_229, %reduce_sum3A_230 [1] : vector<64x512xi32> to vector<64xi32>
    %broadcast_in_dim3A_232 = vector.shape_cast %reduce_sum3A_231 : vector<64xi32> to vector<64x1xi32>
    %swap3A_233 = arith.constant 0 : index
    %swap3A_234 = arith.constant 0 : index
    %swap3A_235 = arith.constant 1 : index
    %swap3A_236 = vector.load %arg5[%swap3A_233, %swap3A_234, %swap3A_235] : memref<1x64x4xi32, #tpu.memory_space<vmem>>, vector<1x64x1xi32>
    %swap3A_237 = vector.shape_cast %swap3A_236 : vector<1x64x1xi32> to vector<64x1xi32>
    %swap3A_238 = vector.shape_cast %broadcast_in_dim3A_232 : vector<64x1xi32> to vector<1x64x1xi32>
    tpu.vector_store %arg5[%swap3A_233, %swap3A_234, %swap3A_235], %swap3A_238 {strides = array<i32>} : memref<1x64x4xi32, #tpu.memory_space<vmem>>, vector<1x64x1xi32>,
    %slice3A_239 = vector.extract_strided_slice %convert_element_type3A_219 {offsets = [0, 1024], sizes = [64, 512], strides = [1, 1]} : vector<64x2048xi32> to vector<64x512xi32>
    %reduce_sum3A_240 = arith.constant dense<0> : vector<64xi32>
    %reduce_sum3A_241 = vector.multi_reduction <add>, %slice3A_239, %reduce_sum3A_240 [1] : vector<64x512xi32> to vector<64xi32>
    %broadcast_in_dim3A_242 = vector.shape_cast %reduce_sum3A_241 : vector<64xi32> to vector<64x1xi32>
    %swap3A_243 = arith.constant 0 : index
    %swap3A_244 = arith.constant 0 : index
    %swap3A_245 = arith.constant 2 : index
    %swap3A_246 = vector.load %arg5[%swap3A_243, %swap3A_244, %swap3A_245] : memref<1x64x4xi32, #tpu.memory_space<vmem>>, vector<1x64x1xi32>
    %swap3A_247 = vector.shape_cast %swap3A_246 : vector<1x64x1xi32> to vector<64x1xi32>
    %swap3A_248 = vector.shape_cast %broadcast_in_dim3A_242 : vector<64x1xi32> to vector<1x64x1xi32>
    tpu.vector_store %arg5[%swap3A_243, %swap3A_244, %swap3A_245], %swap3A_248 {strides = array<i32>} : memref<1x64x4xi32, #tpu.memory_space<vmem>>, vector<1x64x1xi32>,
    %slice3A_249 = vector.extract_strided_slice %convert_element_type3A_219 {offsets = [0, 1536], sizes = [64, 512], strides = [1, 1]} : vector<64x2048xi32> to vector<64x512xi32>
    %reduce_sum3A_250 = arith.constant dense<0> : vector<64xi32>
    %reduce_sum3A_251 = vector.multi_reduction <add>, %slice3A_249, %reduce_sum3A_250 [1] : vector<64x512xi32> to vector<64xi32>
    %broadcast_in_dim3A_252 = vector.shape_cast %reduce_sum3A_251 : vector<64xi32> to vector<64x1xi32>
    %swap3A_253 = arith.constant 0 : index
    %swap3A_254 = arith.constant 0 : index
    %swap3A_255 = arith.constant 3 : index
    %swap3A_256 = vector.load %arg5[%swap3A_253, %swap3A_254, %swap3A_255] : memref<1x64x4xi32, #tpu.memory_space<vmem>>, vector<1x64x1xi32>
    %swap3A_257 = vector.shape_cast %swap3A_256 : vector<1x64x1xi32> to vector<64x1xi32>
    %swap3A_258 = vector.shape_cast %broadcast_in_dim3A_252 : vector<64x1xi32> to vector<1x64x1xi32>
    tpu.vector_store %arg5[%swap3A_253, %swap3A_254, %swap3A_255], %swap3A_258 {strides = array<i32>} : memref<1x64x4xi32, #tpu.memory_space<vmem>>, vector<1x64x1xi32>,
    return
  }
  func.func @transform_0(%arg0: i32) -> (i32, i32) {
    %c0_i32 = arith.constant 0 : i32
    %c0_i32_0 = arith.constant 0 : i32
    return %c0_i32, %arg0 : i32, i32
  }
  func.func @transform_1(%arg0: i32) -> (i32, i32) {
    %c0_i32 = arith.constant 0 : i32
    %c0_i32_0 = arith.constant 0 : i32
    return %c0_i32, %arg0 : i32, i32
  }
  func.func @transform_2(%arg0: i32) -> (i32, i32) {
    %c0_i32 = arith.constant 0 : i32
    %c0_i32_0 = arith.constant 0 : i32
    return %c0_i32, %arg0 : i32, i32
  }
  func.func @transform_3(%arg0: i32) -> (i32, i32) {
    %c0_i32 = arith.constant 0 : i32
    %c0_i32_0 = arith.constant 0 : i32
    return %c0_i32, %arg0 : i32, i32
  }
  func.func @transform_4(%arg0: i32) -> (i32, i32, i32) {
    %c0_i32 = arith.constant 0 : i32
    %c0_i32_0 = arith.constant 0 : i32
    %c0_i32_1 = arith.constant 0 : i32
    return %arg0, %c0_i32, %c0_i32_0 : i32, i32, i32
  }
}

</mosaic_0001>

<sc_bundles>
// kernel: kernel.4.cloned.1.call-start
scs
__scs_entry_jumppad:
0x0: {  	(pc) =	sbr.rel $0x88, $3  }
0x1: {  	(tag) =	ssettag $0x0;
	lr =	simm.s32 $0x1  }
0x2: {  	[smem:$0x3FA0] =	sst lr;
	_ =	strace $0xD0000000  }
0x3: {  	_ = 	snop  }
0x4: {  	_ = 	snop  }
0x5: {  	_ = 	snop  }
0x6: {  	_ = 	snop  }
0x7: {  	_ = 	snop  }
__scs_overlays_trampoline_lowered:
0x8: {  	[smem:$0x3FAF] =	sst s0  }
0x9: {  	[smem:$0x3FB0] =	sst s1  }
0xa: {  	[smem:$0x3FB1] =	sst s2  }
0xb: {  	[smem:$0x3FB2] =	sst s3  }
0xc: {  	[smem:$0x3FB3] =	sst s4  }
0xd: {  	[smem:$0x3FB4] =	sst s5  }
0xe: {  	[smem:$0x3FB5] =	sst s6  }
0xf: {  	[smem:$0x3FB6] =	sst s7  }
0x10: {  	[smem:$0x3FB7] =	sst s8  }
0x11: {  	[smem:$0x3FB8] =	sst s9;
	s0 =	simm.s32 @!p0 $0x0  }
0x12: {  	s1 =	sld [smem:$0x3F9E];
	s0 =	simm.s32 @p0 $0x1  }
0x13: {  	[smem:$0x3FB9] =	sst s0;
	s0 =	simm.s32 @!p1 $0x0  }
0x14: {  	s2 =	sld [smem:$0x3F9D];
	s0 =	simm.s32 @p1 $0x1  }
0x15: {  	[smem:$0x3FBA] =	sst s0;
	s0 =	simm.s32 @!p2 $0x0  }
0x16: {  	s3 =	sld [smem:$0x3FDB];
	s0 =	simm.s32 @p2 $0x1  }
0x17: {  	s4 =	simm.s32 $0x1BF5;
	[smem:$0x3FBC] =	sst s0  }
0x18: {  	s0 =	sld [smem:$0x3F9F];
	_ =	swait.ge [sflag:s4], $0x0  }
0x19: {  	s7 =	sld [smem:$0x3FA0]  }
0x1a: {  	s8 =	sadd.s32 $0xFFFFE003, lr  }
0x1b: {  	s9 =	sadd.s32 $0xFFFFFEF7, lr;
	s5 =	simm.s32 $0xFFFFFFFF;
	p2 =	slt.u32 s8, $0xFFFFF086  }
0x1c: {  	p1 =	slt.u32 s9, $0xF7A;
	s5 =	simm.s32 @!p2 $0x0  }
0x1d: {  	s5 =	simm.s32 @p1 $0x1;
	p0 =	seq.s32 s7, s2  }
0x1e: {  	s7 =	smul.u32 @!p0 $0xF7A, s2;
	p2 =	seq.s32 @!p0 s5, $0x0  }
0x1f: {  	s9 =	smul.u32 $0xF7A, s1;
	s8 =	simm.s32 @!p0 $0x1BF5;
	p2 =	por !p2, p0  }
0x20: {  	[sflag:s8] =	ssyncset.s32 @!p0 $0xFFFFF086;
	s6 =	sadd.s32 @!p0 s3, s7;
	s7 =	simm.s32 @!p0 $0x108  }
0x21: {  	s3 =	sadd.s32 s3, s9;
	s6 =	sadd.s32 @!p0 $0x88, s6;
	s7 =	simm.s32 @p2 $0x1082  }
0x22: {  	[simem:s7], [sflag:s8] =	dma.local @!p0 [hbm:s6], $0xF7A  }
0x23: {  	s9 =	sor.u32 $0xD0000000, s2;
	s6 =	simm.s32 $0x108;
	_ =	swait.ge @!p0 [sflag:s8], $0x0  }
0x24: {  	s3 =	sadd.s32 $0x88, s3;
	s6 =	simm.s32 @!p1 $0x1082;
	[sflag:s4] =	ssyncset.s32 $0xFFFFF086  }
0x25: {  	[simem:s6], [sflag:s4] =	dma.local [hbm:s3], $0xF7A  }
0x26: {  	[smem:$0x3FA0] =	sst s1;
	(tag) =	ssettag s2;
	_ =	strace s9  }
0x27: {  	s1 =	sld [smem:$0x3FB0]  }
0x28: {  	s2 =	sld [smem:$0x3FB1]  }
0x29: {  	s4 =	sld [smem:$0x3FB3]  }
0x2a: {  	p0 =	seq.s32 s5, $0x0;
	s5 =	sld [smem:$0x3FB4]  }
0x2b: {  	s6 =	sld [smem:$0x3FB5]  }
0x2c: {  	s7 =	sld [smem:$0x3FB6]  }
0x2d: {  	s3 =	simm.s32 $0x108;
	s8 =	sld [smem:$0x3FB7]  }
0x2e: {  	s3 =	simm.s32 @!p0 $0x1082;
	s9 =	sld [smem:$0x3FB8]  }
0x2f: {  	lr =	sadd.s32 s0, s3;
	s0 =	sld [smem:$0x3FAF]  }
0x30: {  	s3 =	sld [smem:$0x3FB2]  }
0x31: {  	[smem:$0x3FBB] =	sst s10  }
0x32: {  	s10 =	sld [smem:$0x3FB9];
	_ =	sdelay $0x3  }
0x33: {  	p0 =	seq.s32 s10, $0x1;
	s10 =	sld [smem:$0x3FBB];
	_ =	sdelay $0x3  }
0x34: {  	[smem:$0x3FBB] =	sst s10  }
0x35: {  	s10 =	sld [smem:$0x3FBA];
	_ =	sdelay $0x3  }
0x36: {  	p1 =	seq.s32 s10, $0x1;
	s10 =	sld [smem:$0x3FBB];
	_ =	sdelay $0x3  }
0x37: {  	[smem:$0x3FBB] =	sst s10  }
0x38: {  	s10 =	sld [smem:$0x3FBC]  }
0x39: {  	_ = 	snop;
	(pc) =	sbr.ind lr, $3  }
0x3a: {  	_ = 	snop  }
0x3b: {  	_ = 	snop  }
0x3c: {  	p2 =	seq.s32 s10, $0x1;
	s10 =	sld [smem:$0x3FBB]  }
0x3d: {  	_ =	shalt  }
0x3e: {  	_ =	shalt  }
0x3f: {  	_ =	shalt  }
0x40: {  	_ =	shalt  }
0x41: {  	_ =	shalt  }
0x42: {  	_ =	shalt  }
0x43: {  	_ =	shalt  }
0x44: {  	_ =	shalt  }
0x45: {  	_ =	shalt  }
0x46: {  	_ =	shalt  }
0x47: {  	_ =	shalt  }
0x48: {  	_ =	shalt  }
0x49: {  	_ =	shalt  }
0x4a: {  	_ =	shalt  }
0x4b: {  	_ =	shalt  }
0x4c: {  	_ =	shalt  }
0x4d: {  	_ =	shalt  }
0x4e: {  	_ =	shalt  }
0x4f: {  	_ =	shalt  }
0x50: {  	_ =	shalt  }
0x51: {  	_ =	shalt  }
0x52: {  	_ =	shalt  }
0x53: {  	_ =	shalt  }
0x54: {  	_ =	shalt  }
0x55: {  	_ =	shalt  }
0x56: {  	_ =	shalt  }
0x57: {  	_ =	shalt  }
0x58: {  	_ =	shalt  }
0x59: {  	_ =	shalt  }
0x5a: {  	_ =	shalt  }
0x5b: {  	_ =	shalt  }
0x5c: {  	_ =	shalt  }
0x5d: {  	_ =	shalt  }
0x5e: {  	_ =	shalt  }
0x5f: {  	_ =	shalt  }
0x60: {  	_ =	shalt  }
0x61: {  	_ =	shalt  }
0x62: {  	_ =	shalt  }
0x63: {  	_ =	shalt  }
0x64: {  	_ =	shalt  }
0x65: {  	_ =	shalt  }
0x66: {  	_ =	shalt  }
0x67: {  	_ =	shalt  }
0x68: {  	_ =	shalt  }
0x69: {  	_ =	shalt  }
0x6a: {  	_ =	shalt  }
0x6b: {  	_ =	shalt  }
0x6c: {  	_ =	shalt  }
0x6d: {  	_ =	shalt  }
0x6e: {  	_ =	shalt  }
0x6f: {  	_ =	shalt  }
0x70: {  	_ =	shalt  }
0x71: {  	_ =	shalt  }
0x72: {  	_ =	shalt  }
0x73: {  	_ =	shalt  }
0x74: {  	_ =	shalt  }
0x75: {  	_ =	shalt  }
0x76: {  	_ =	shalt  }
0x77: {  	_ =	shalt  }
0x78: {  	_ =	shalt  }
0x79: {  	_ =	shalt  }
0x7a: {  	_ =	shalt  }
0x7b: {  	_ =	shalt  }
0x7c: {  	_ =	shalt  }
0x7d: {  	_ =	shalt  }
0x7e: {  	_ =	shalt  }
0x7f: {  	_ =	shalt  }
0x80: {  	_ =	shalt  }
0x81: {  	_ =	shalt  }
0x82: {  	_ =	shalt  }
0x83: {  	_ =	shalt  }
0x84: {  	_ =	shalt  }
0x85: {  	_ =	shalt  }
0x86: {  	_ =	shalt  }
0x87: {  	_ =	shalt  }
.Lfunc_end0:
.L_simem_size_0:
called_computation_lowered:
.L_overlay_start_0:
0x88: {  	s2 =	sld [smem:$0x3FD9]  }
0x89: {  	s3 =	sld [smem:$0x3FFE];
	_ =	sdelay $0x1  }
0x8a: {  	s1 =	srdreg.scid  }
0x8b: {  	s0 =	sand.u32 $0x1, s1  }
0x8c: {  	s14 =	sshll.u32 s0, $0xA;
	s2 =	sadd.s32 s3, s2  }
0x8d: {  	s2 =	sadd.s32 s2, s14  }
0x8e: {  	[smem:$0x3FC7] =	sst s2  }
0x8f: {  	_ = 	snop  }
0x90: {  	s2 =	sld [smem:$0x3FD0];
	_ =	sdelay $0x2  }
0x91: {  	s15 =	simm.s32 $0xA;
	s4 =	simm.s32 $0x10  }
0x92: {  	[smem:s4], [sflag:s15] =	dma.local [hbm:s2], $0x1  }
0x93: {  	_ =	swait.eq [sflag:s15], $0x1  }
0x94: {  	s16 =	sld [smem:$0x10];
	[sflag:s15] =	ssyncset.done $0x0  }
0x95: {  	s17 =	sld [smem:$0x12];
	[sflag:s15] =	ssyncadd.s32 $0xFFFFFFFF  }
0x96: {  	s18 =	sld [smem:$0x13];
	(tm) =	ssettm $0x1  }
0x97: {  	s5 =	sld [smem:$0x3FFB];
	_ =	sdelay $0x3  }
0x98: {  	_ =	strace s5  }
0x99: {  	s5 =	sld [smem:$0x3FFC];
	_ =	sdelay $0x3  }
0x9a: {  	_ =	strace s5  }
0x9b: {  	s5 =	sld [smem:$0x3FFD];
	_ =	sdelay $0x3  }
0x9c: {  	_ =	strace s5  }
0x9d: {  	_ =	strace $0x8FFFFFFF  }
0x9e: {  	s19 =	sld [smem:$0x3FDB];
	_ =	sdelay $0x1  }
0x9f: {  	s6 =	simm.s32 $_scs_section_size  }
0xa0: {  	s7 =	simm.s32 $_size__tile_overlayer_lowered;
	s8 =	simm.s32 $_tile_overlayer_lowered  }
0xa1: {  	s22 =	simm.s32 $0x1BFF;
	s21 =	sshll.u32 s8, $0x1;
	s5 =	sadd.s32 s6, s19  }
0xa2: {  	s9 =	simm.s32 $0x0;
	s20 =	sshll.u32 s7, $0x1;
	s7 =	sadd.s32 s21, s5  }
0xa3: {  	[timem:s9], [sflag:s22] =	dma.local [hbm:s7], s20  }
0xa4: {  	_ =	swait.ge [sflag:s22], s20  }
0xa5: {  	s6 =	ssub.s32 $0x0, s20;
	[sflag:s22] =	ssyncset.done $0x0  }
0xa6: {  	[sflag:s22] =	ssyncadd.s32 s6;
	_ =	sdelay $0x1  }
0xa7: {  	s23 =	simm.s32 $0x1B8B  }
0xa8: {  	_ =	swait.ge [sflag:s23], $0x1  }
0xa9: {  	[sflag:s23] =	ssyncset.done $0x0  }
0xaa: {  	s25 =	simm.s32 $0x1B8E;
	s24 =	sld [smem:$0x3FFE];
	[sflag:s23] =	ssyncadd.s32 $0xFFFFFFFF  }
0xab: {  	s26 =	simm.s32 $execute0_lowered;
	[smem:$0x3FD2] =	sst s25  }
0xac: {  	s7 =	sshll.u32 s26, $0x1;
	_ =	strace $0x80000046;
	[dreg:$0x1] =	wrdreg $0xFFFFFFFF  }
0xad: {  	s28 =	simm.s32 $_size_execute0_lowered;
	s5 =	sadd.s32 s5, s7;
	[dreg:$0x0] =	wrdreg $0x0  }
0xae: {  	s7 =	sshll.u32 s28, $0x1;
	[dreg:$0x2] =	wrdreg s5  }
0xaf: {  	[dreg:$0x3] =	wrdreg s7  }
0xb0: {  	[dreg:$0x4] =	wrdreg $0xC0  }
0xb1: {  	_ =	task [dreg:s9], $0x5FFFF  }
0xb2: {  	[dreg:$0x1] =	wrdreg $0xFFFFFFFF  }
0xb3: {  	[dreg:$0x0] =	wrdreg $0x60  }
0xb4: {  	[dreg:$0x2] =	wrdreg s17  }
0xb5: {  	[dreg:$0x3] =	wrdreg s24  }
0xb6: {  	[dreg:$0x4] =	wrdreg s16  }
0xb7: {  	[dreg:$0x5] =	wrdreg s18  }
0xb8: {  	[dreg:$0x6] =	wrdreg $0x9  }
0xb9: {  	_ =	task.clear_ibuf [dreg:s9], $0x7FFFF;
	_ =	strace $0x90000046  }
0xba: {  	s29 =	simm.s32 $0x9;
	_ =	strace $0x80000048  }
0xbb: {  	_ =	swait.ge [sflag:s29], $0x1  }
0xbc: {  	[sflag:s29] =	ssyncadd.s32 $0xFFFFFFFF  }
0xbd: {  	_ =	strace $0x90000048  }
0xbe: {  	_ =	sfence  }
0xbf: {  	s30 =	sld [smem:$0x0];
	_ =	sdelay $0x2  }
0xc0: {  	s31 =	sshll.u32 s1, $0xD;
	s1 =	sshrl.u32 s1, $0x2  }
0xc1: {  	s3 =	sand.u32 $0x4000, s31;
	s1 =	sadd.s32 s1, s30  }
0xc2: {  	s0 =	sor.u32 s3, s0;
	s1 =	sshll.u32 s1, $0x11  }
0xc3: {  	s0 =	sor.u32 s1, s0  }
0xc4: {  	s0 =	sadd.s32 $0x8F2B, s0  }
0xc5: {  	[sflag:s0] =	ssyncadd.remote.s32 $0x1  }
0xc6: {  	_ =	sfence.sel $0xFFFF  }
0xc7: {  	[dreg:$0x0] =	wrdreg $0xFFFFFFFF;
	(pc) =	sbr.abs _section_cstart, $3  }
0xc8: {  	[dreg:$0x1] =	wrdreg $0xFFFFFFFF  }
0xc9: {  	_ =	task.clear_ibuf [dreg:s9], $0x2FFFF;
	_ =	strace $0x9FFFFFFF  }
0xca: {  	(tm) =	ssettm $0x7FFFFFFF  }
0xcb: {  	_ =	shalt  }
tec
execute0_lowered:
.L_overlay_start_1:
0x0: {  	(tag) =	ssettag $0x1  }
0x1: {  	s0 =	srdreg.scid;
	s6 =	stileid.u32  }
0x2: {  	s4 =	rddreg [dreg:$0x0];
	s2 =	simm.s32 $0x1;
	s7 =	simm.s32 $0x1  }
0x3: {  	s8 =	simm.s32 $0x1;
	s9 =	simm.s32 $0x1;
	s11 =	simm.s32 $0x1  }
0x4: {  	s10 =	simm.s32 $0x1;
	s12 =	simm.s32 $0x1;
	s13 =	simm.s32 $0x1  }
0x5: {  	s14 =	simm.s32 $0x1;
	s15 =	simm.s32 $0x1;
	s16 =	simm.s32 $0x1  }
0x6: {  	s17 =	simm.s32 $0x1;
	s18 =	simm.s32 $0x1;
	s19 =	simm.s32 $0x1  }
0x7: {  	s20 =	simm.s32 $0x1;
	s3 =	sand.u32 $0x1, s0;
	s1 =	sshll.u32 s6, $0x1  }
0x8: {  	s21 =	simm.s32 $0x1;
	s22 =	simm.s32 $0x1;
	s5 =	sor.u32 s3, s1  }
0x9: {  	s23 =	simm.s32 $0x1;
	s24 =	simm.s32 $0x1;
	p2 =	sgt.u32 s5, $0x2  }
0xa: {  	s25 =	simm.s32 $0x1;
	s8 =	simm.s32 @!p2 $0x0;
	p2 =	sgt.u32 s6, $0x1  }
0xb: {  	s26 =	simm.s32 $0x1;
	s9 =	simm.s32 @!p2 $0x0;
	p2 =	sgt.u32 s5, $0x4  }
0xc: {  	s28 =	simm.s32 $0x1;
	s11 =	simm.s32 @!p2 $0x0;
	p2 =	sgt.u32 s6, $0x2  }
0xd: {  	s29 =	rddreg [dreg:$0x1];
	s10 =	simm.s32 @!p2 $0x0;
	p2 =	sgt.u32 s5, $0x6  }
0xe: {  	s30 =	simm.s32 $0x1;
	s12 =	simm.s32 @!p2 $0x0;
	p2 =	sgt.u32 s6, $0x3  }
0xf: {  	s0 =	simm.s32 $0x0;
	s13 =	simm.s32 @!p2 $0x0;
	p2 =	sgt.u32 s5, $0x8  }
0x10: {  	p0 =	sne.s32 s6, $0x0;
	s14 =	simm.s32 @!p2 $0x0;
	p2 =	sgt.u32 s6, $0x4  }
0x11: {  	[smem:$0x7FF] =	sst s0;
	s15 =	simm.s32 @!p2 $0x0;
	p2 =	sgt.u32 s5, $0xA  }
0x12: {  	s7 =	simm.s32 @!p0 $0x0;
	s16 =	simm.s32 @!p2 $0x0;
	p2 =	sgt.u32 s6, $0x5  }
0x13: {  	s1 =	rddreg [dreg:$0x2];
	s17 =	simm.s32 @!p2 $0x0;
	p2 =	sgt.u32 s5, $0xC  }
0x14: {  	p1 =	sne.s32 s5, $0x0;
	s18 =	simm.s32 @!p2 $0x0;
	p2 =	sgt.u32 s6, $0x6  }
0x15: {  	v1 =	vmov s7;
	s7 =	rddreg [dreg:$0x3];
	s19 =	simm.s32 @!p2 $0x0;
	p2 =	sgt.u32 s5, $0xE  }
0x16: {  	s2 =	simm.s32 @!p1 $0x0;
	s20 =	simm.s32 @!p2 $0x0;
	p2 =	sgt.u32 s6, $0x7  }
0x17: {  	v0 =	vmov s2;
	s2 =	rddreg [dreg:$0x4];
	s21 =	simm.s32 @!p2 $0x0;
	p2 =	sgt.u32 s5, $0x10  }
0x18: {  	v2 =	vmov s8;
	s8 =	simm.s32 $0x1;
	s22 =	simm.s32 @!p2 $0x0;
	p2 =	sgt.u32 s6, $0x8  }
0x19: {  	_ =	strace $0x80000047;
	s23 =	simm.s32 @!p2 $0x0;
	p2 =	sgt.u32 s5, $0x12  }
0x1a: {  	v3 =	vmov s9;
	s9 =	simm.s32 $0x1;
	s24 =	simm.s32 @!p2 $0x0;
	p2 =	sgt.u32 s6, $0x9  }
0x1b: {  	v4 =	vmov s11;
	s11 =	simm.s32 $0x1;
	s25 =	simm.s32 @!p2 $0x0;
	p2 =	sgt.u32 s5, $0x14  }
0x1c: {  	v5 =	vmov s10;
	s10 =	simm.s32 $0x1;
	s26 =	simm.s32 @!p2 $0x0;
	p2 =	sgt.u32 s6, $0xA  }
0x1d: {  	v31 =	vlaneseq.u32;
	v6 =	vmov s12;
	s12 =	simm.s32 $0x1;
	s28 =	simm.s32 @!p2 $0x0;
	p2 =	sgt.u32 s5, $0x16  }
0x1e: {  	v32 =	vimm.s32 $0x3;
	v33 =	vimm.s32 $0x0;
	v7 =	vmov s13;
	s13 =	simm.s32 $0x1;
	s30 =	simm.s32 @!p2 $0x0;
	p2 =	sgt.u32 s6, $0xB  }
0x1f: {  	v34 =	vimm.s32 $0x1;
	v35 =	vimm.s32 $0x2;
	v21 =	vmov s28;
	s28 =	ssub.s32 $0x2, s3;
	s3 =	sadd.s32 $0xC00, s29;
	s8 =	simm.s32 @!p2 $0x0  }
0x20: {  	v36 =	vimm.s32 $0x4;
	v37 =	vimm.s32 $0x5;
	p2 =	sgt.u32 s5, $0x18;
	v22 =	vmov s30;
	s29 =	sshrl.u32 s28, $0x1;
	s30 =	sshll.u32 s5, $0x9  }
0x21: {  	v38 =	vimm.s32 $0x6;
	v39 =	vimm.s32 $0x7;
	s9 =	simm.s32 @!p2 $0x0;
	p2 =	sgt.u32 s6, $0xC;
	v23 =	vmov s8;
	s8 =	simm.s32 $0x1  }
0x22: {  	vm0 =	vcmask $0x3F20;
	v8 =	vmov s14;
	v9 =	vmov s15;
	s31 =	ssub.s32 s28, s29;
	s10 =	simm.s32 @!p2 $0x0;
	p2 =	sgt.u32 s5, $0x1A  }
0x23: {  	v10 =	vmov s16;
	v11 =	vmov s17;
	v12 =	vmov s18;
	s4 =	sadd.s32 s4, s30;
	s11 =	simm.s32 @!p2 $0x0;
	p2 =	sgt.u32 s6, $0xD  }
0x24: {  	v13 =	vmov s19;
	v14 =	vmov s20;
	v24 =	vmov s9;
	s9 =	simm.s32 $0x2800;
	s12 =	simm.s32 @!p2 $0x0;
	p2 =	sgt.u32 s5, $0x1C  }
0x25: {  	v15 =	vmov s21;
	v16 =	vmov s22;
	v17 =	vmov s23;
	s13 =	simm.s32 @!p2 $0x0;
	p2 =	seq.s32 s6, $0xF;
	s6 =	simm.s32 $0x1  }
0x26: {  	v18 =	vmov s24;
	v19 =	vmov s25;
	v25 =	vmov s10;
	s10 =	simm.s32 $0x1800;
	s6 =	simm.s32 @!p2 $0x0;
	p2 =	seq.s32 s5, $0x1F  }
0x27: {  	v20 =	vmov s26;
	v26 =	vmov s11;
	s11 =	simm.s32 $0x0;
	v27 =	vmov s12;
	s5 =	simm.s32 $0x1;
	s8 =	simm.s32 @!p2 $0x0  }
0x28: {  	v28 =	vmov s13;
	v29 =	vmov s6;
	s6 =	sadd.s32 s7, s30;
	s7 =	smax.u32 s31, $0x1;
	v30 =	vmov s8;
	s8 =	simm.s32 $0x800  }
.LBB2_1:
0x29: {  	[tilespmem:s0], [sflag:$0x1] =	stream.linear.gather [hbm4b:s3+s0], $0x800, $0x38;
	[tilespmem:$0x2900] =	vst v63  }
0x2a: {  	_ =	swait.ge [sflag:s5], $0x800  }
0x2b: {  	[sflag:s5] =	ssyncset.done $0x0  }
0x2c: {  	[sflag:s5] =	ssyncadd.s32 $0xFFFFF800  }
0x2d: {  	[tilespmem:s8], [sflag:$0x1] =	stream.linear.gather [hbm4b:s4+s0], $0x1000, $0x38;
	[tilespmem:$0x2900] =	vst v63  }
0x2e: {  	_ =	swait.ge [sflag:s5], $0x1000  }
0x2f: {  	[sflag:s5] =	ssyncset.done $0x0  }
0x30: {  	[sflag:s5] =	ssyncadd.s32 $0xFFFFF000  }
0x31: {  	v40 =	vld [tilespmem:$0x0]  }
0x32: {  	v41 =	vld [tilespmem:$0x40]  }
0x33: {  	v42 =	vld [tilespmem:$0x80]  }
0x34: {  	v43 =	vld [tilespmem:$0xC0]  }
0x35: {  	v44 =	vld [tilespmem:$0x100]  }
0x36: {  	v45 =	vld [tilespmem:$0x140]  }
0x37: {  	v46 =	vld [tilespmem:$0x180]  }
0x38: {  	v47 =	vld [tilespmem:$0x1C0]  }
0x39: {  	v48 =	vld [tilespmem:$0x200]  }
0x3a: {  	v51 =	vld [tilespmem:$0x240]  }
0x3b: {  	v53 =	vld [tilespmem:$0x280];
	v49 =	vmul.u32 v0, v40;
	v50 =	vmul.u32 v1, v41  }
0x3c: {  	v54 =	vld [tilespmem:$0x2C0];
	v40 =	vadd.s32 v40, v41  }
0x3d: {  	v52 =	vmul.u32 v2, v42;
	v40 =	vadd.s32 v42, v40;
	v49 =	vadd.s32 v49, v50;
	v50 =	vld [tilespmem:$0x340]  }
0x3e: {  	v58 =	vmul.u32 v3, v43;
	v40 =	vadd.s32 v43, v40;
	v43 =	vld [tilespmem:$0x190]  }
0x3f: {  	v60 =	vmul.u32 v4, v44;
	v61 =	vmul.u32 v5, v45;
	v59 =	vadd.s32 v52, v49;
	v52 =	vld [tilespmem:$0x300]  }
0x40: {  	v62 =	vmul.u32 v6, v46;
	v63 =	vmul.u32 v7, v47;
	v49 =	vld [tilespmem:$0x380];
	v40 =	vadd.s32 v44, v40  }
0x41: {  	v55 =	vmul.u32 v8, v48;
	v44 =	vld [tilespmem:$0x3C0];
	v41 =	vadd.s32 v58, v59;
	v40 =	vadd.s32 v45, v40  }
0x42: {  	v56 =	vmul.u32 v9, v51;
	v45 =	vld [tilespmem:$0x400];
	v41 =	vadd.s32 v60, v41;
	v40 =	vadd.s32 v46, v40  }
0x43: {  	v57 =	vmul.u32 v10, v53;
	v46 =	vld [tilespmem:$0x440];
	v41 =	vadd.s32 v61, v41;
	v40 =	vadd.s32 v47, v40  }
0x44: {  	v58 =	vmul.u32 v11, v54;
	v47 =	vld [tilespmem:$0x480];
	v41 =	vadd.s32 v62, v41;
	v40 =	vadd.s32 v48, v40  }
0x45: {  	v48 =	vld [tilespmem:$0x4C0];
	v60 =	vmul.u32 v13, v50;
	v41 =	vadd.s32 v63, v41;
	v40 =	vadd.s32 v51, v40  }
0x46: {  	v59 =	vmul.u32 v12, v52;
	v51 =	vld [tilespmem:$0x500];
	v61 =	vmul.u32 v14, v49;
	v41 =	vadd.s32 v55, v41  }
0x47: {  	v62 =	vmul.u32 v15, v44;
	v40 =	vadd.s32 v53, v40;
	v53 =	vld [tilespmem:$0x540];
	v41 =	vadd.s32 v56, v41  }
0x48: {  	v63 =	vmul.u32 v16, v45;
	v40 =	vadd.s32 v54, v40;
	v54 =	vld [tilespmem:$0x580];
	v41 =	vadd.s32 v57, v41  }
0x49: {  	v55 =	vmul.u32 v17, v46;
	v40 =	vadd.s32 v52, v40;
	v52 =	vld [tilespmem:$0x5C0];
	v41 =	vadd.s32 v58, v41  }
0x4a: {  	v56 =	vmul.u32 v18, v47;
	v40 =	vadd.s32 v50, v40;
	v50 =	vld [tilespmem:$0x600];
	v41 =	vadd.s32 v59, v41  }
0x4b: {  	v57 =	vmul.u32 v19, v48;
	v40 =	vadd.s32 v49, v40;
	v49 =	vld [tilespmem:$0x640];
	v41 =	vadd.s32 v60, v41  }
0x4c: {  	v58 =	vmul.u32 v20, v51;
	v40 =	vadd.s32 v44, v40;
	v44 =	vld [tilespmem:$0x680];
	v41 =	vadd.s32 v61, v41  }
0x4d: {  	v59 =	vmul.u32 v21, v53;
	v40 =	vadd.s32 v45, v40;
	v45 =	vld [tilespmem:$0x6C0];
	v41 =	vadd.s32 v62, v41  }
0x4e: {  	v60 =	vmul.u32 v22, v54;
	v40 =	vadd.s32 v46, v40;
	v46 =	vld [tilespmem:$0x700];
	v41 =	vadd.s32 v63, v41  }
0x4f: {  	v61 =	vmul.u32 v23, v52;
	v40 =	vadd.s32 v47, v40;
	v47 =	vld [tilespmem:$0x740];
	v41 =	vadd.s32 v55, v41  }
0x50: {  	v62 =	vmul.u32 v24, v50;
	v40 =	vadd.s32 v48, v40;
	v48 =	vld [tilespmem:$0x780];
	v41 =	vadd.s32 v56, v41  }
0x51: {  	v63 =	vmul.u32 v25, v49;
	v40 =	vadd.s32 v51, v40;
	v51 =	vld [tilespmem:$0xD0];
	v41 =	vadd.s32 v57, v41  }
0x52: {  	v40 =	vadd.s32 v53, v40;
	v53 =	vld [tilespmem:$0x10];
	v57 =	vmul.u32 v26, v44;
	v41 =	vadd.s32 v58, v41  }
0x53: {  	v40 =	vadd.s32 v54, v40;
	v54 =	vld [tilespmem:$0x50];
	v58 =	vmul.u32 v27, v45;
	v42 =	vadd.s32 v59, v41  }
0x54: {  	v40 =	vadd.s32 v52, v40;
	v52 =	vld [tilespmem:$0x90];
	v59 =	vmul.u32 v28, v46;
	v42 =	vadd.s32 v60, v42  }
0x55: {  	v56 =	vld [tilespmem:$0x210];
	v40 =	vadd.s32 v50, v40;
	v60 =	vmul.u32 v29, v47;
	v42 =	vadd.s32 v61, v42  }
0x56: {  	v41 =	vld [tilespmem:$0x7C0];
	v40 =	vadd.s32 v49, v40;
	v61 =	vmul.u32 v30, v48;
	v42 =	vadd.s32 v62, v42  }
0x57: {  	v49 =	vld [tilespmem:$0x110];
	v40 =	vadd.s32 v44, v40;
	v62 =	vmul.u32 v0, v53;
	v42 =	vadd.s32 v63, v42  }
0x58: {  	v50 =	vld [tilespmem:$0x150];
	v40 =	vadd.s32 v45, v40;
	v55 =	vmul.u32 v1, v54;
	v42 =	vadd.s32 v57, v42  }
0x59: {  	v45 =	vld [tilespmem:$0x1D0];
	v40 =	vadd.s32 v46, v40;
	v63 =	vmul.u32 v2, v52;
	v57 =	vadd.s32 v53, v54  }
0x5a: {  	v54 =	vld [tilespmem:$0x290];
	v42 =	vadd.s32 v58, v42;
	v46 =	vadd.s32 v47, v40;
	v47 =	vadd.s32 v62, v55  }
0x5b: {  	v53 =	vld [tilespmem:$0x310];
	v58 =	vmul.u32 v3, v51;
	v42 =	vadd.s32 v59, v42;
	v44 =	vadd.s32 v63, v47  }
0x5c: {  	v59 =	vadd.s32 v52, v57;
	v52 =	vld [tilespmem:$0x2D0];
	v42 =	vadd.s32 v60, v42;
	v60 =	vmul.u32 v4, v49  }
0x5d: {  	v44 =	vadd.s32 v58, v44;
	v47 =	vadd.s32 v51, v59;
	v51 =	vld [tilespmem:$0x390];
	v40 =	vadd.s32 v61, v42  }
0x5e: {  	v42 =	vadd.s32 v48, v46;
	v46 =	vld [tilespmem:$0x250];
	v61 =	vmul.u32 v5, v50;
	v47 =	vadd.s32 v49, v47  }
0x5f: {  	v62 =	vmul.u32 v6, v43;
	v49 =	vld [tilespmem:$0x350];
	v44 =	vadd.s32 v60, v44;
	v47 =	vadd.s32 v50, v47  }
0x60: {  	v63 =	vmul.u32 v7, v45;
	v48 =	vld [tilespmem:$0x3D0];
	v44 =	vadd.s32 v61, v44;
	v43 =	vadd.s32 v43, v47  }
0x61: {  	v55 =	vmul.u32 v8, v56;
	v50 =	vld [tilespmem:$0x410];
	v44 =	vadd.s32 v62, v44;
	v43 =	vadd.s32 v45, v43  }
0x62: {  	v58 =	vmul.u32 v10, v54;
	v47 =	vld [tilespmem:$0x6D0];
	v44 =	vadd.s32 v63, v44;
	v43 =	vadd.s32 v56, v43  }
0x63: {  	v57 =	vmul.u32 v9, v46;
	v44 =	vadd.s32 v55, v44;
	v55 =	vld [tilespmem:$0x450];
	v43 =	vadd.s32 v46, v43  }
0x64: {  	v60 =	vmul.u32 v12, v53;
	v41 =	vadd.s32 v41, v42;
	v46 =	vld [tilespmem:$0x490];
	v43 =	vadd.s32 v54, v43  }
0x65: {  	v59 =	vmul.u32 v11, v52;
	v54 =	vld [tilespmem:$0x4D0];
	v44 =	vadd.s32 v57, v44;
	v43 =	vadd.s32 v52, v43  }
0x66: {  	v62 =	vmul.u32 v14, v51;
	v52 =	vld [tilespmem:$0x510];
	v44 =	vadd.s32 v58, v44;
	v43 =	vadd.s32 v53, v43  }
0x67: {  	v61 =	vmul.u32 v13, v49;
	v53 =	vld [tilespmem:$0x550];
	v44 =	vadd.s32 v59, v44;
	v43 =	vadd.s32 v49, v43  }
0x68: {  	v63 =	vmul.u32 v15, v48;
	v49 =	vld [tilespmem:$0x590];
	v44 =	vadd.s32 v60, v44;
	v43 =	vadd.s32 v51, v43  }
0x69: {  	v56 =	vmul.u32 v16, v50;
	v51 =	vld [tilespmem:$0x5D0];
	v44 =	vadd.s32 v61, v44;
	v43 =	vadd.s32 v48, v43  }
0x6a: {  	v57 =	vmul.u32 v17, v55;
	v48 =	vld [tilespmem:$0x610];
	v44 =	vadd.s32 v62, v44;
	v43 =	vadd.s32 v50, v43  }
0x6b: {  	v58 =	vmul.u32 v18, v46;
	v50 =	vld [tilespmem:$0x650];
	v44 =	vadd.s32 v63, v44;
	v43 =	vadd.s32 v55, v43  }
0x6c: {  	v59 =	vmul.u32 v19, v54;
	v55 =	vld [tilespmem:$0x690];
	v44 =	vadd.s32 v56, v44;
	v43 =	vadd.s32 v46, v43  }
0x6d: {  	v60 =	vmul.u32 v20, v52;
	v46 =	vld [tilespmem:$0x1A0];
	v44 =	vadd.s32 v57, v44;
	v43 =	vadd.s32 v54, v43  }
0x6e: {  	v61 =	vmul.u32 v21, v53;
	v54 =	vld [tilespmem:$0x710];
	v44 =	vadd.s32 v58, v44;
	v43 =	vadd.s32 v52, v43  }
0x6f: {  	v62 =	vmul.u32 v22, v49;
	v52 =	vld [tilespmem:$0x750];
	v44 =	vadd.s32 v59, v44;
	v43 =	vadd.s32 v53, v43  }
0x70: {  	v63 =	vmul.u32 v23, v51;
	v53 =	vld [tilespmem:$0x790];
	v44 =	vadd.s32 v60, v44;
	v43 =	vadd.s32 v49, v43  }
0x71: {  	v56 =	vmul.u32 v24, v48;
	v49 =	vld [tilespmem:$0x7D0];
	v44 =	vadd.s32 v61, v44;
	v43 =	vadd.s32 v51, v43  }
0x72: {  	v57 =	vmul.u32 v25, v50;
	v51 =	vld [tilespmem:$0x20];
	v44 =	vadd.s32 v62, v44;
	v43 =	vadd.s32 v48, v43  }
0x73: {  	v59 =	vmul.u32 v27, v47;
	v48 =	vld [tilespmem:$0x60];
	v44 =	vadd.s32 v63, v44;
	v43 =	vadd.s32 v50, v43  }
0x74: {  	v58 =	vmul.u32 v26, v55;
	v50 =	vld [tilespmem:$0xA0];
	v44 =	vadd.s32 v56, v44;
	v43 =	vadd.s32 v55, v43  }
0x75: {  	v60 =	vmul.u32 v28, v54;
	v55 =	vld [tilespmem:$0xE0];
	v44 =	vadd.s32 v57, v44;
	v43 =	vadd.s32 v47, v43  }
0x76: {  	v61 =	vmul.u32 v29, v52;
	v47 =	vld [tilespmem:$0x120];
	v44 =	vadd.s32 v58, v44;
	v43 =	vadd.s32 v54, v43  }
0x77: {  	v63 =	vmul.u32 v30, v53;
	v56 =	vld [tilespmem:$0x1E0];
	v44 =	vadd.s32 v59, v44;
	v43 =	vadd.s32 v52, v43  }
0x78: {  	v54 =	vld [tilespmem:$0x2E0];
	v62 =	vadd.s32 v60, v44;
	v52 =	vadd.s32 v53, v43;
	v60 =	vmul.u32 v0, v51  }
0x79: {  	v44 =	vld [tilespmem:$0x160];
	v42 =	vadd.s32 v61, v62;
	v61 =	vmul.u32 v1, v48;
	v62 =	vmul.u32 v2, v50  }
0x7a: {  	v53 =	vld [tilespmem:$0x260];
	v48 =	vadd.s32 v51, v48;
	v57 =	vmul.u32 v3, v55;
	v43 =	vadd.s32 v63, v42  }
0x7b: {  	v51 =	vld [tilespmem:$0x360];
	v42 =	vadd.s32 v49, v52;
	v48 =	vadd.s32 v50, v48;
	v58 =	vmul.u32 v4, v47  }
0x7c: {  	v49 =	vld [tilespmem:$0x220];
	v63 =	vadd.s32 v60, v61;
	v48 =	vadd.s32 v55, v48;
	v60 =	vmul.u32 v6, v46  }
0x7d: {  	v52 =	vld [tilespmem:$0x2A0];
	v61 =	vmul.u32 v7, v56;
	v45 =	vadd.s32 v62, v63;
	v47 =	vadd.s32 v47, v48  }
0x7e: {  	v50 =	vld [tilespmem:$0x320];
	v45 =	vadd.s32 v57, v45;
	v59 =	vmul.u32 v5, v44;
	v44 =	vadd.s32 v44, v47  }
0x7f: {  	v55 =	vld [tilespmem:$0x3E0];
	v63 =	vmul.u32 v9, v53;
	v45 =	vadd.s32 v58, v45;
	v44 =	vadd.s32 v46, v44  }
0x80: {  	v48 =	vld [tilespmem:$0x3A0];
	v58 =	vmul.u32 v11, v54;
	v45 =	vadd.s32 v59, v45;
	v44 =	vadd.s32 v56, v44  }
0x81: {  	v62 =	vmul.u32 v8, v49;
	v45 =	vadd.s32 v60, v45;
	v44 =	vadd.s32 v49, v44;
	v49 =	vld [tilespmem:$0x420]  }
0x82: {  	v57 =	vmul.u32 v10, v52;
	v45 =	vadd.s32 v61, v45;
	v44 =	vadd.s32 v53, v44;
	v53 =	vld [tilespmem:$0x460]  }
0x83: {  	v59 =	vmul.u32 v12, v50;
	v45 =	vadd.s32 v62, v45;
	v44 =	vadd.s32 v52, v44;
	v52 =	vld [tilespmem:$0x4A0]  }
0x84: {  	v60 =	vmul.u32 v13, v51;
	v45 =	vadd.s32 v63, v45;
	v44 =	vadd.s32 v54, v44;
	v54 =	vld [tilespmem:$0x4E0]  }
0x85: {  	v61 =	vmul.u32 v14, v48;
	v45 =	vadd.s32 v57, v45;
	v44 =	vadd.s32 v50, v44;
	v50 =	vld [tilespmem:$0x520]  }
0x86: {  	v62 =	vmul.u32 v15, v55;
	v45 =	vadd.s32 v58, v45;
	v44 =	vadd.s32 v51, v44;
	v51 =	vld [tilespmem:$0x560]  }
0x87: {  	v63 =	vmul.u32 v16, v49;
	v45 =	vadd.s32 v59, v45;
	v44 =	vadd.s32 v48, v44;
	v48 =	vld [tilespmem:$0x5A0]  }
0x88: {  	v57 =	vmul.u32 v17, v53;
	v45 =	vadd.s32 v60, v45;
	v44 =	vadd.s32 v55, v44;
	v55 =	vld [tilespmem:$0x5E0]  }
0x89: {  	v58 =	vmul.u32 v18, v52;
	v45 =	vadd.s32 v61, v45;
	v44 =	vadd.s32 v49, v44;
	v49 =	vld [tilespmem:$0x620]  }
0x8a: {  	v59 =	vmul.u32 v19, v54;
	v45 =	vadd.s32 v62, v45;
	v44 =	vadd.s32 v53, v44;
	v53 =	vld [tilespmem:$0x660]  }
0x8b: {  	v60 =	vmul.u32 v20, v50;
	v45 =	vadd.s32 v63, v45;
	v44 =	vadd.s32 v52, v44;
	v52 =	vld [tilespmem:$0x6A0]  }
0x8c: {  	v61 =	vmul.u32 v21, v51;
	v45 =	vadd.s32 v57, v45;
	v44 =	vadd.s32 v54, v44;
	v54 =	vld [tilespmem:$0x6E0]  }
0x8d: {  	v62 =	vmul.u32 v22, v48;
	v45 =	vadd.s32 v58, v45;
	v44 =	vadd.s32 v50, v44;
	v50 =	vld [tilespmem:$0x720]  }
0x8e: {  	v63 =	vmul.u32 v23, v55;
	v45 =	vadd.s32 v59, v45;
	v44 =	vadd.s32 v51, v44;
	v51 =	vld [tilespmem:$0x760]  }
0x8f: {  	v57 =	vmul.u32 v24, v49;
	v45 =	vadd.s32 v60, v45;
	v56 =	vadd.s32 v48, v44;
	v44 =	vld [tilespmem:$0x7A0]  }
0x90: {  	v58 =	vmul.u32 v25, v53;
	v45 =	vadd.s32 v61, v45;
	v46 =	vadd.s32 v55, v56;
	v55 =	vld [tilespmem:$0x30]  }
0x91: {  	v59 =	vmul.u32 v26, v52;
	v56 =	vld [tilespmem:$0x230];
	v45 =	vadd.s32 v62, v45;
	v46 =	vadd.s32 v49, v46  }
0x92: {  	v49 =	vld [tilespmem:$0x70];
	v60 =	vmul.u32 v27, v54;
	v45 =	vadd.s32 v63, v45;
	v46 =	vadd.s32 v53, v46  }
0x93: {  	v53 =	vld [tilespmem:$0xB0];
	v61 =	vmul.u32 v28, v50;
	v45 =	vadd.s32 v57, v45;
	v46 =	vadd.s32 v52, v46  }
0x94: {  	v52 =	vld [tilespmem:$0xF0];
	v62 =	vmul.u32 v29, v51;
	v45 =	vadd.s32 v58, v45;
	v46 =	vadd.s32 v54, v46  }
0x95: {  	v54 =	vld [tilespmem:$0x130];
	v63 =	vmul.u32 v30, v44;
	v45 =	vadd.s32 v59, v45;
	v46 =	vadd.s32 v50, v46  }
0x96: {  	v50 =	vld [tilespmem:$0x170];
	v45 =	vadd.s32 v60, v45;
	v60 =	vmul.u32 v0, v55;
	v46 =	vadd.s32 v51, v46  }
0x97: {  	v57 =	vld [tilespmem:$0x1B0];
	v45 =	vadd.s32 v61, v45;
	v61 =	vmul.u32 v1, v49;
	v49 =	vadd.s32 v55, v49  }
0x98: {  	v51 =	vld [tilespmem:$0x1F0];
	v44 =	vadd.s32 v44, v46;
	v45 =	vadd.s32 v62, v45;
	v62 =	vmul.u32 v2, v53  }
0x99: {  	v55 =	vld [tilespmem:$0x2B0];
	v59 =	vadd.s32 v53, v49;
	v45 =	vadd.s32 v63, v45;
	v47 =	vadd.s32 v60, v61  }
0x9a: {  	v53 =	vld [tilespmem:$0x270];
	v63 =	vmul.u32 v3, v52;
	v60 =	vmul.u32 v4, v54;
	v48 =	vadd.s32 v52, v59  }
0x9b: {  	v52 =	vld [tilespmem:$0x330];
	v47 =	vadd.s32 v62, v47;
	v61 =	vmul.u32 v5, v50;
	v48 =	vadd.s32 v54, v48  }
0x9c: {  	v62 =	vmul.u32 v6, v57;
	v54 =	vld [tilespmem:$0x2F0];
	v47 =	vadd.s32 v63, v47;
	v48 =	vadd.s32 v50, v48  }
0x9d: {  	v63 =	vmul.u32 v7, v51;
	v47 =	vadd.s32 v60, v47;
	v48 =	vadd.s32 v57, v48;
	v57 =	vld [tilespmem:$0x370]  }
0x9e: {  	v60 =	vmul.u32 v8, v56;
	v47 =	vadd.s32 v61, v47;
	v48 =	vadd.s32 v51, v48;
	v51 =	vld [tilespmem:$0x3B0]  }
0x9f: {  	v61 =	vmul.u32 v9, v53;
	v47 =	vadd.s32 v62, v47;
	v48 =	vadd.s32 v56, v48;
	v56 =	vld [tilespmem:$0x3F0]  }
0xa0: {  	v62 =	vmul.u32 v10, v55;
	v47 =	vadd.s32 v63, v47;
	v48 =	vadd.s32 v53, v48;
	v53 =	vld [tilespmem:$0x430]  }
0xa1: {  	v58 =	vmul.u32 v12, v52;
	v47 =	vadd.s32 v60, v47;
	v48 =	vadd.s32 v55, v48;
	v55 =	vld [tilespmem:$0x470]  }
0xa2: {  	v63 =	vmul.u32 v11, v54;
	v47 =	vadd.s32 v61, v47;
	v48 =	vadd.s32 v54, v48;
	v54 =	vld [tilespmem:$0x4B0]  }
0xa3: {  	v59 =	vmul.u32 v13, v57;
	v47 =	vadd.s32 v62, v47;
	v48 =	vadd.s32 v52, v48;
	v52 =	vld [tilespmem:$0x4F0]  }
0xa4: {  	v60 =	vmul.u32 v14, v51;
	v47 =	vadd.s32 v63, v47;
	v48 =	vadd.s32 v57, v48;
	v57 =	vld [tilespmem:$0x530]  }
0xa5: {  	v61 =	vmul.u32 v15, v56;
	v47 =	vadd.s32 v58, v47;
	v48 =	vadd.s32 v51, v48;
	v51 =	vld [tilespmem:$0x570]  }
0xa6: {  	v62 =	vmul.u32 v16, v53;
	v47 =	vadd.s32 v59, v47;
	v48 =	vadd.s32 v56, v48;
	v56 =	vld [tilespmem:$0x5B0]  }
0xa7: {  	v63 =	vmul.u32 v17, v55;
	v47 =	vadd.s32 v60, v47;
	v48 =	vadd.s32 v53, v48;
	v53 =	vld [tilespmem:$0x5F0]  }
0xa8: {  	v59 =	vmul.u32 v18, v54;
	v47 =	vadd.s32 v61, v47;
	v48 =	vadd.s32 v55, v48;
	v55 =	vld [tilespmem:$0x630]  }
0xa9: {  	v60 =	vmul.u32 v19, v52;
	v47 =	vadd.s32 v62, v47;
	v48 =	vadd.s32 v54, v48;
	v54 =	vld [tilespmem:$0x670]  }
0xaa: {  	v61 =	vmul.u32 v20, v57;
	v47 =	vadd.s32 v63, v47;
	v48 =	vadd.s32 v52, v48;
	v52 =	vld [tilespmem:$0x6B0]  }
0xab: {  	v62 =	vmul.u32 v21, v51;
	v47 =	vadd.s32 v59, v47;
	v48 =	vadd.s32 v57, v48;
	v57 =	vld [tilespmem:$0x6F0]  }
0xac: {  	v63 =	vmul.u32 v22, v56;
	v47 =	vadd.s32 v60, v47;
	v48 =	vadd.s32 v51, v48;
	v51 =	vld [tilespmem:$0x730]  }
0xad: {  	v58 =	vmul.u32 v23, v53;
	v60 =	vld [tilespmem:$0x7E0];
	v47 =	vadd.s32 v61, v47;
	v48 =	vadd.s32 v56, v48  }
0xae: {  	v59 =	vmul.u32 v24, v55;
	v47 =	vadd.s32 v62, v47;
	v48 =	vadd.s32 v53, v48  }
0xaf: {  	v61 =	vmul.u32 v25, v54;
	v47 =	vadd.s32 v63, v47;
	v48 =	vadd.s32 v55, v48  }
0xb0: {  	v62 =	vmul.u32 v26, v52;
	v47 =	vadd.s32 v58, v47;
	v48 =	vadd.s32 v54, v48  }
0xb1: {  	v55 =	vld [tilespmem:$0x770];
	v63 =	vmul.u32 v27, v57;
	v47 =	vadd.s32 v59, v47;
	v48 =	vadd.s32 v52, v48  }
0xb2: {  	v54 =	vmul.u32 v28, v51;
	v50 =	vadd.s32 v60, v44;
	v60 =	vmov s0  }
0xb3: {  	v44 =	vshrl.u32 v31, $0x3;
	v47 =	vadd.s32 v61, v47;
	v58 =	vadd.s32 v57, v48  }
0xb4: {  	s12 =	simm.s32 $0x2;
	v48 =	vld [tilespmem:$0x7B0];
	v61 =	vand.u32 $0x7, v31;
	v46 =	vshll.u32 v60, $0x3;
	v47 =	vadd.s32 v62, v47  }
0xb5: {  	v60 =	vmov s12;
	v62 =	vor.u32 s0, v44;
	v56 =	vadd.s32 v63, v47  }
0xb6: {  	[tilespmem:$0x2800] =	vst v40;
	v47 =	vadd.s32 v51, v58;
	v59 =	vmul.u32 v29, v55;
	v63 =	vld [tilespmem:$0x7F0];
	v52 =	vand.u32 $0x7F, v62  }
0xb7: {  	[tilespmem:$0x2880] =	vst v41;
	v49 =	vadd.s32 v54, v56;
	v56 =	vand.u32 $0xC00, v46;
	v46 =	vmul.u32 $0x80, v61  }
0xb8: {  	[tilespmem:$0x2810] =	vst v43;
	v62 =	vshll.u32 v60, $0x3;
	v57 =	vadd.s32 v59, v49;
	v41 =	vor.u32 v52, v56  }
0xb9: {  	[tilespmem:$0x2890] =	vst v42;
	v59 =	vadd.s32 v55, v47;
	v58 =	vmul.u32 v30, v48;
	v41 =	vor.u32 v46, v41  }
0xba: {  	[tilespmem:$0x2820] =	vst v45;
	v61 =	vor.u32 s12, v44;
	v45 =	vand.u32 $0xC00, v62;
	v42 =	vadd.s32 v48, v59  }
0xbb: {  	[tilespmem:$0x28A0] =	vst v50;
	v43 =	vand.u32 $0x7F, v61;
	v40 =	vadd.s32 v58, v57;
	v42 =	vadd.s32 v63, v42  }
0xbc: {  	v63 =	vor.u32 v43, v45;
	[tilespmem:$0x2830] =	vst v40  }
0xbd: {  	[tilespmem:$0x28B0] =	vst v42;
	v40 =	vor.u32 v46, v63  }
0xbe: {  	s12 =	simm.s32 $0x4;
	v43 =	vld.idx.msk [tilespmem:v41+s8+$0x0], $0xffff;
	v42 =	vmov v40  }
.LBB2_2:
0xbf: {  	p2 =	sne.s32 s12, $0x1FE;
	s13 =	smov.u32 s12;
	s12 =	sadd.s32 $0x2, s12  }
0xc0: {  	_ =	sdelay $0x2  }
0xc1: {  	v45 =	vperm.xlane v43, v35;
	v47 =	vperm.xlane v43, v37  }
0xc2: {  	v48 =	vperm.xlane v43, v33;
	v49 =	vperm.xlane v43, v34  }
0xc3: {  	v50 =	vperm.xlane v43, v36;
	vm1 =	veq.s32 v43, v45;
	v45 =	vperm.xlane v43, v32  }
0xc4: {  	vm2 =	veq.s32 v43, v48;
	vm3 =	veq.s32 v43, v49;
	vm4 =	veq.s32 v43, v47  }
0xc5: {  	v47 =	vsel vm2, $0x1, v33;
	v48 =	vsel vm3, $0x1, v33;
	vm2 =	veq.s32 v43, v45  }
0xc6: {  	v45 =	vadd.s32 v47, v48;
	v47 =	vsel vm1, $0x1, v33;
	vm1 =	veq.s32 v43, v50  }
0xc7: {  	v48 =	vperm.xlane v43, v38;
	v45 =	vadd.s32 v47, v45;
	v47 =	vsel vm2, $0x1, v33  }
0xc8: {  	v50 =	vperm.xlane v43, v39;
	v45 =	vadd.s32 v47, v45;
	v47 =	vsel vm1, $0x1, v33;
	v49 =	vld.idx.msk [tilespmem:v43+s9+$0x0], $0xffff  }
0xc9: {  	vm1 =	veq.s32 v43, v48;
	v45 =	vadd.s32 v47, v45;
	v47 =	vsel vm4, $0x1, v33  }
0xca: {  	v45 =	vadd.s32 v47, v45;
	v47 =	vsel vm1, $0x1, v33;
	vm1 =	veq.s32 v43, v50  }
0xcb: {  	v45 =	vadd.s32 v47, v45;
	v47 =	vsel vm1, $0x1, v33  }
0xcc: {  	vm1 =	vmmov $0xff;
	v45 =	vadd.s32 v47, v45  }
0xcd: {  	v47 =	vmov s13;
	v45 =	vsel vm1, $0x0, v45  }
.Ltmp0:
0xce: {  	v48 =	vor.u32 s13, v44;
	v47 =	vshll.u32 v47, $0x3;
	v45 =	vadd.s32 v49, v45;
	(pc) =	sbr.rel @p2 .LBB2_2-.Ltmp0, $4  }
0xcf: {  	v48 =	vand.u32 $0x7F, v48;
	v47 =	vand.u32 $0xC00, v47;
	[tilespmem:v41+s10+$0x0] =	vst.idx.msk $0xffff, v45;
	v41 =	vmov v40  }
0xd0: {  	v40 =	vor.u32 v48, v47;
	[tilespmem:v43+s9+$0x0] =	vst.idx.add.s32.msk $0xff, v34  }
0xd1: {  	v40 =	vor.u32 v46, v40;
	[tilespmem:v43+s9+$0x0] =	vst.idx.add.s32.msk vm0, v34  }
0xd2: {  	v43 =	vld.idx.msk [tilespmem:v42+s8+$0x0], $0xffff;
	v42 =	vmov v40  }
0xd3: {  	_ =	sdelay $0x3  }
0xd4: {  	v44 =	vperm.xlane v43, v35  }
0xd5: {  	v45 =	vperm.xlane v43, v37;
	v46 =	vperm.xlane v43, v33  }
0xd6: {  	v47 =	vperm.xlane v43, v34;
	v63 =	vperm.xlane v43, v32  }
0xd7: {  	v48 =	vperm.xlane v43, v36;
	v56 =	vperm.xlane v43, v38  }
0xd8: {  	v58 =	vperm.xlane v43, v39;
	vm3 =	veq.s32 v43, v46;
	vm4 =	veq.s32 v43, v47  }
0xd9: {  	vm2 =	veq.s32 v43, v44;
	v51 =	vsel vm3, $0x1, v33;
	v52 =	vsel vm4, $0x1, v33  }
0xda: {  	vm3 =	veq.s32 v43, v63;
	v54 =	vsel vm2, $0x1, v33;
	v53 =	vadd.s32 v51, v52  }
0xdb: {  	vm2 =	veq.s32 v43, v48;
	v55 =	vsel vm3, $0x1, v33;
	v44 =	vadd.s32 v54, v53  }
0xdc: {  	vm5 =	veq.s32 v43, v45;
	v57 =	vsel vm2, $0x1, v33;
	v44 =	vadd.s32 v55, v44  }
0xdd: {  	v59 =	vld.idx.msk [tilespmem:v43+s9+$0x0], $0xffff;
	v60 =	vsel vm5, $0x1, v33;
	vm2 =	veq.s32 v43, v56;
	v44 =	vadd.s32 v57, v44  }
0xde: {  	v61 =	vsel vm2, $0x1, v33;
	vm2 =	veq.s32 v43, v58;
	v44 =	vadd.s32 v60, v44  }
0xdf: {  	v62 =	vsel vm2, $0x1, v33;
	v44 =	vadd.s32 v61, v44  }
0xe0: {  	v44 =	vadd.s32 v62, v44  }
0xe1: {  	v44 =	vsel vm1, $0x0, v44  }
0xe2: {  	v44 =	vadd.s32 v59, v44  }
0xe3: {  	[tilespmem:v41+s10+$0x0] =	vst.idx.msk $0xffff, v44  }
0xe4: {  	[tilespmem:v43+s9+$0x0] =	vst.idx.add.s32.msk $0xff, v34  }
0xe5: {  	[tilespmem:v43+s9+$0x0] =	vst.idx.add.s32.msk vm0, v34  }
0xe6: {  	v41 =	vld.idx.msk [tilespmem:v42+s8+$0x0], $0xffff;
	_ =	sdelay $0x4  }
0xe7: {  	v42 =	vperm.xlane v41, v35  }
0xe8: {  	v63 =	vperm.xlane v41, v37;
	v48 =	vperm.xlane v41, v33  }
0xe9: {  	v49 =	vperm.xlane v41, v34;
	v50 =	vperm.xlane v41, v32  }
0xea: {  	v51 =	vperm.xlane v41, v36;
	v57 =	vperm.xlane v41, v38  }
0xeb: {  	v59 =	vperm.xlane v41, v39;
	vm3 =	veq.s32 v41, v48;
	vm14 =	veq.s32 v41, v49  }
0xec: {  	vm2 =	veq.s32 v41, v42;
	v52 =	vsel vm3, $0x1, v33;
	v53 =	vsel vm14, $0x1, v33  }
0xed: {  	vm3 =	veq.s32 v41, v50;
	v55 =	vsel vm2, $0x1, v33;
	v54 =	vadd.s32 v52, v53  }
0xee: {  	vm2 =	veq.s32 v41, v51;
	v56 =	vsel vm3, $0x1, v33;
	v42 =	vadd.s32 v55, v54  }
0xef: {  	vm15 =	veq.s32 v41, v63;
	v58 =	vsel vm2, $0x1, v33;
	v42 =	vadd.s32 v56, v42  }
0xf0: {  	v60 =	vld.idx.msk [tilespmem:v41+s9+$0x0], $0xffff;
	v61 =	vsel vm15, $0x1, v33;
	vm2 =	veq.s32 v41, v57;
	v42 =	vadd.s32 v58, v42  }
0xf1: {  	v62 =	vsel vm2, $0x1, v33;
	vm2 =	veq.s32 v41, v59;
	v42 =	vadd.s32 v61, v42  }
0xf2: {  	v63 =	vsel vm2, $0x1, v33;
	v42 =	vadd.s32 v62, v42  }
0xf3: {  	v42 =	vadd.s32 v63, v42  }
0xf4: {  	v42 =	vsel vm1, $0x0, v42  }
0xf5: {  	v42 =	vadd.s32 v60, v42  }
0xf6: {  	[tilespmem:v40+s10+$0x0] =	vst.idx.msk $0xffff, v42  }
0xf7: {  	[tilespmem:v41+s9+$0x0] =	vst.idx.add.s32.msk $0xff, v34  }
0xf8: {  	[tilespmem:v41+s9+$0x0] =	vst.idx.add.s32.msk vm0, v34  }
0xf9: {  	[hbm4b:s6+s0] =	stream.linear.scatter [tilespmem:s10], [sflag:$0x1], $0x1000, $0x38;
	[tilespmem:$0x2900] =	vst v63  }
0xfa: {  	_ =	swait.ge [sflag:s5], $0x1000  }
0xfb: {  	s12 =	simm.s32 @!p1 $0x0;
	s11 =	sadd.s32 $0x1, s11;
	[sflag:s5] =	ssyncset.done $0x0  }
0xfc: {  	s13 =	simm.s32 @!p1 $0x2880;
	p2 =	sne.s32 s11, s7;
	[sflag:s5] =	ssyncadd.s32 $0xFFFFF000  }
0xfd: {  	[hbm4b:s1+s12] =	stream.linear.scatter @!p1 [tilespmem:s13], [sflag:$0x1], $0x80, $0x38;
	[tilespmem:$0x2900] =	vst v63  }
.Ltmp1:
0xfe: {  	_ = 	snop;
	(pc) =	sbr.rel @p2 .LBB2_1-.Ltmp1, $4  }
0xff: {  	s12 =	simm.s32 @!p1 $0x1  }
0x100: {  	_ =	swait.ge @!p1 [sflag:s12], $0x80  }
0x101: {  	[sflag:s12] =	ssyncset.done @!p1 $0x0  }
0x102: {  	[sflag:s12] =	ssyncadd.s32 @!p1 $0xFFFFFF80  }
0x103: {  	_ =	sfence.sel $0x180000  }
0x104: {  	[bflag:$0x0] =	sbarrier.arrive $0xFFFF  }
0x105: {  	_ =	strace $0x90000047  }
0x106: {  	s0 =	sadd.s32 @!p0 $0x100000, s2;
	[bflag:$0x2] =	sbarrier.arrive $0xFFFF  }
0x107: {  	[sflag:s0] =	ssyncadd.tile.s32 @!p0 $0x1;
	_ =	shalt  }
.Lfunc_end2:
_tile_overlayer_lowered:
.L_overlay_start_2:
0x108: {  	(tag) =	ssettag $0x2  }
0x109: {  	s0 =	rddreg [dreg:$0x0];
	s2 =	stileid.u32  }
0x10a: {  	s1 =	rddreg [dreg:$0x1];
	p0 =	sne.s32 s2, $0x0  }
0x10b: {  	s3 =	rddreg [dreg:$0x2];
	[bflag:$0x3] =	sbarrier.arrive $0xFFFF;
	s2 =	simm.s32 @!p0 $0x1C01  }
0x10c: {  	[timem:s3], [sflag:s2] =	dma.local @!p0 [hbm:s0], s1  }
0x10d: {  	s0 =	simm.s32 @!p0 $0x1  }
0x10e: {  	_ =	swait.ge @!p0 [sflag:s0], s1  }
0x10f: {  	s1 =	ssub.s32 @!p0 $0x0, s1;
	[sflag:s0] =	ssyncset.done @!p0 $0x0  }
0x110: {  	[sflag:s0] =	ssyncadd.s32 @!p0 s1  }
0x111: {  	[bflag:$0x3] =	sbarrier.arrive $0xFFFF  }
0x112: {  	_ =	shalt  }

</sc_bundles>
